<compile_context>
chip_gen: v7x
topology: tpu7x:2x2x1
jax: 0.10.2.dev20260603
libtpu: 0.0.44.dev20260713+nightly
codegen_flags: <defaults>
</compile_context>

<pallas_src>
import functools

import jax
import jax.numpy as jnp
from jax.experimental import pallas as pl
from jax.experimental.pallas import tpu as pltpu
from jax.experimental.pallas import tpu_sc as plsc


def _build_body(gu, mu, gi, mi, p1, p2, out):
    ucat = jnp.concatenate(
        [jnp.swapaxes(gu[...].astype(jnp.bfloat16), 0, 1),
         jnp.swapaxes(mu[...].astype(jnp.bfloat16), 0, 1)], axis=1)
    icat = (
        jax.lax.dot_general(gi[...].astype(jnp.bfloat16), p1[...],
                            (((0,), (0,)), ((), ())),
                            preferred_element_type=jnp.float32)
        + jax.lax.dot_general(mi[...].astype(jnp.bfloat16), p2[...],
                              (((0,), (0,)), ((), ())),
                              preferred_element_type=jnp.float32))
    ub = jax.lax.bitcast_convert_type(ucat, jnp.uint16).astype(jnp.uint32)
    ib = jax.lax.bitcast_convert_type(icat, jnp.uint32)
    word = (ib & jnp.uint32(0xFFFF0000)) | ub
    out[...] = jax.lax.bitcast_convert_type(word, jnp.float32)


def _build_table(gu_t, mu_t, gi_t, mi_t):
    D, V = gu_t.shape
    BT = 8192
    grid = (pl.cdiv(V, BT),)
    inspec = pl.BlockSpec((D, BT), lambda i: (0, i))
    out_t = jax.ShapeDtypeStruct((V, 2 * D), jnp.float32)
    p1 = jnp.concatenate(
        [jnp.eye(D, dtype=jnp.float32), jnp.zeros((D, D), jnp.float32)],
        axis=1).astype(jnp.bfloat16)
    p2 = jnp.concatenate(
        [jnp.zeros((D, D), jnp.float32), jnp.eye(D, dtype=jnp.float32)],
        axis=1).astype(jnp.bfloat16)
    return pl.pallas_call(
        _build_body,
        grid=grid,
        in_specs=[inspec, inspec, inspec, inspec,
                  pl.BlockSpec((D, 2 * D), lambda i: (0, 0)),
                  pl.BlockSpec((D, 2 * D), lambda i: (0, 0))],
        out_specs=pl.BlockSpec((BT, 2 * D), lambda i: (i, 0)),
        out_shape=out_t,
        compiler_params=pltpu.CompilerParams(
            dimension_semantics=("arbitrary",)),
    )(gu_t, mu_t, gi_t, mi_t, p1, p2)


def _sc_gather2(user_ids, item_ids, tab):
    B = user_ids.shape[0]
    W = tab.shape[1]
    info = plsc.get_sparse_core_info()
    nw = info.num_cores * info.num_subcores
    assert B % (8 * nw) == 0
    b_per_w = B // nw
    CH = 128
    NBUF = 4
    n_g = 2 * (b_per_w // CH)
    mesh = plsc.VectorSubcoreMesh(core_axis_name="c", subcore_axis_name="s")
    out_t = jax.ShapeDtypeStruct((B, W), jnp.float32)

    @functools.partial(
        pl.kernel,
        mesh=mesh,
        out_type=(out_t, out_t),
        scratch_types=[
            pltpu.VMEM((b_per_w,), jnp.int32),
            pltpu.VMEM((b_per_w,), jnp.int32),
            [pltpu.VMEM((CH, W), jnp.float32)] * NBUF,
            [pltpu.SemaphoreType.DMA] * NBUF,
            [pltpu.SemaphoreType.DMA] * NBUF,
        ],
    )
    def k(uid_hbm, iid_hbm, t_hbm, o_u, o_i, idx_u, idx_i, bufs, gsem, wsem):
        wid = jax.lax.axis_index("s") * info.num_cores + jax.lax.axis_index("c")
        base = wid * b_per_w
        pltpu.sync_copy(uid_hbm.at[pl.ds(base, b_per_w)], idx_u)
        pltpu.sync_copy(iid_hbm.at[pl.ds(base, b_per_w)], idx_i)

        def parts(g):
            st, ch = g % 2, g // 2
            isl = pl.ds(ch * CH, CH)
            idx = (idx_u if st == 0 else idx_i).at[isl]
            out = (o_u if st == 0 else o_i).at[pl.ds(base + ch * CH, CH)]
            return idx, out

        gcp = {}
        wcp = {}
        for g in range(min(NBUF, n_g)):
            idx, _ = parts(g)
            gcp[g] = pltpu.async_copy(t_hbm.at[idx], bufs[g], gsem[g])
        for g in range(n_g):
            b = g % NBUF
            gcp[g].wait()
            _, out = parts(g)
            wcp[g] = pltpu.async_copy(bufs[b], out, wsem[b])
            if g + NBUF < n_g:
                wcp[g].wait()
                idx, _ = parts(g + NBUF)
                gcp[g + NBUF] = pltpu.async_copy(t_hbm.at[idx], bufs[b],
                                                 gsem[b])
        for g in range(max(0, n_g - NBUF), n_g):
            wcp[g].wait()

    return k(user_ids, item_ids, tab)


def _dot_t(x, w_t):
    return jax.lax.dot_general(x, w_t, (((1,), (1,)), ((), ())),
                               preferred_element_type=jnp.float32)


def _tc_body(u, i, p, q, b1, w2t, b2, w3t, b3, w4t, b4, wg, wx, bout, out):
    uw = jax.lax.bitcast_convert_type(u[...], jnp.uint32)
    iw = jax.lax.bitcast_convert_type(i[...], jnp.uint32)
    uv = jax.lax.bitcast_convert_type(uw << 16, jnp.float32)
    iv = jax.lax.bitcast_convert_type(iw & jnp.uint32(0xFFFF0000),
                                      jnp.float32)
    h = jnp.maximum(
        jnp.dot(uv.astype(jnp.bfloat16), p[...],
                preferred_element_type=jnp.float32)
        + jnp.dot(iv.astype(jnp.bfloat16), q[...],
                  preferred_element_type=jnp.float32)
        + b1[...], 0.0)
    h = jnp.maximum(_dot_t(h, w2t[...]) + b2[...], 0.0)
    h = jnp.maximum(_dot_t(h, w3t[...]) + b3[...], 0.0)
    h = jnp.maximum(_dot_t(h, w4t[...]) + b4[...], 0.0)
    pred = (jnp.sum(uv * iv * wg[...], axis=1)
            + jnp.sum(h * wx[...], axis=1) + bout[0, 0])
    out[...] = jax.nn.sigmoid(pred)


def _tc_mlp(u_rows, i_rows, W1, b1, W2, b2, W3, b3, W4, b4, Wout, bout):
    B, W = u_rows.shape
    D = W // 2
    BB = 2048
    grid = (B // BB,)
    d1 = W1.shape[1]
    zpad = jnp.zeros((D, d1), jnp.float32)
    p = jnp.concatenate([zpad, W1[:D]], axis=0).astype(jnp.bfloat16)
    q = jnp.concatenate([zpad, W1[D:]], axis=0).astype(jnp.bfloat16)
    wg = jnp.concatenate([Wout[:D, 0], jnp.zeros((D,), jnp.float32)])
    w2t, w3t, w4t = W2.T, W3.T, W4.T
    row = lambda m, n: pl.BlockSpec((m, n), lambda idx: (0, 0))
    blk = lambda n: pl.BlockSpec((BB, n), lambda idx: (idx, 0))
    return pl.pallas_call(
        _tc_body,
        grid=grid,
        in_specs=[
            blk(W), blk(W),
            row(W, d1), row(W, d1), row(1, d1),
            row(w2t.shape[0], w2t.shape[1]), row(1, w2t.shape[0]),
            row(w3t.shape[0], w3t.shape[1]), row(1, w3t.shape[0]),
            row(w4t.shape[0], w4t.shape[1]), row(1, w4t.shape[0]),
            row(1, W), row(1, w4t.shape[0]), row(1, 1),
        ],
        out_specs=pl.BlockSpec((BB,), lambda idx: (idx,)),
        out_shape=jax.ShapeDtypeStruct((B,), jnp.float32),
        compiler_params=pltpu.CompilerParams(
            dimension_semantics=("parallel",)),
    )(u_rows, i_rows,
      p, q, b1.reshape(1, d1),
      w2t, b2.reshape(1, -1), w3t, b3.reshape(1, -1), w4t, b4.reshape(1, -1),
      wg.reshape(1, W), Wout[D:].reshape(1, -1), bout.reshape(1, 1))


def kernel(user_ids, item_ids, gmf_user, gmf_item, mlp_user, mlp_item,
           W1, b1, W2, b2, W3, b3, W4, b4, Wout, bout):
    tab = _build_table(gmf_user.T, mlp_user.T, gmf_item.T, mlp_item.T)
    u_rows, i_rows = _sc_gather2(user_ids, item_ids, tab)
    return _tc_mlp(u_rows, i_rows, W1, b1, W2, b2, W3, b3, W4, b4, Wout, bout)

# --- scband reference (transcript-rebuilt; emitter-appended) ---
"""Pipeline reference for scband-neural-cf-69088843923696 (READ-ONLY COPY).

The authoritative reference and input builder live on the scoring server;
editing this copy changes nothing except your own understanding.
"""

import jax, jax.numpy as jnp
import numpy as np

B = 16384
U = 100000
I = 100000
D = 64
MLP = [128, 64, 32, 16]


def setup_inputs(seed: int = 0) -> dict:
    key = jax.random.key(seed)
    ks = jax.random.split(key, 20)
    user_ids = jax.random.randint(ks[0], (B,), 0, U)
    item_ids = jax.random.randint(ks[1], (B,), 0, I)
    gmf_user = jax.random.normal(ks[2], (U, D), dtype=jnp.float32) * 0.01
    gmf_item = jax.random.normal(ks[3], (I, D), dtype=jnp.float32) * 0.01
    mlp_user = jax.random.normal(ks[4], (U, D), dtype=jnp.float32) * 0.01
    mlp_item = jax.random.normal(ks[5], (I, D), dtype=jnp.float32) * 0.01
    dims = [2 * D] + MLP  # [128, 128, 64, 32, 16]
    W1 = jax.random.normal(ks[6], (dims[0], dims[1]), dtype=jnp.float32) * 0.05
    b1 = jnp.zeros((dims[1],), dtype=jnp.float32)
    W2 = jax.random.normal(ks[7], (dims[1], dims[2]), dtype=jnp.float32) * 0.05
    b2 = jnp.zeros((dims[2],), dtype=jnp.float32)
    W3 = jax.random.normal(ks[8], (dims[2], dims[3]), dtype=jnp.float32) * 0.05
    b3 = jnp.zeros((dims[3],), dtype=jnp.float32)
    W4 = jax.random.normal(ks[9], (dims[3], dims[4]), dtype=jnp.float32) * 0.05
    b4 = jnp.zeros((dims[4],), dtype=jnp.float32)
    Wout = jax.random.normal(ks[10], (D + MLP[-1], 1), dtype=jnp.float32) * 0.05
    bout = jnp.zeros((1,), dtype=jnp.float32)
    return {
        "user_ids": user_ids, "item_ids": item_ids,
        "gmf_user": gmf_user, "gmf_item": gmf_item,
        "mlp_user": mlp_user, "mlp_item": mlp_item,
        "W1": W1, "b1": b1, "W2": W2, "b2": b2,
        "W3": W3, "b3": b3, "W4": W4, "b4": b4,
        "Wout": Wout, "bout": bout,
    }


def reference(user_ids, item_ids, gmf_user, gmf_item, mlp_user, mlp_item,
              W1, b1, W2, b2, W3, b3, W4, b4, Wout, bout):
    # GMF branch: elementwise product of embeddings
    gu = jnp.take(gmf_user, user_ids, axis=0)
    gi = jnp.take(gmf_item, item_ids, axis=0)
    gmf_out = gu * gi
    # MLP branch: concat embeddings then MLP (dropout is identity at inference)
    mu = jnp.take(mlp_user, user_ids, axis=0)
    mi = jnp.take(mlp_item, item_ids, axis=0)
    x = jnp.concatenate([mu, mi], axis=1)
    x = jax.nn.relu(x @ W1 + b1)
    x = jax.nn.relu(x @ W2 + b2)
    x = jax.nn.relu(x @ W3 + b3)
    x = jax.nn.relu(x @ W4 + b4)
    concat = jnp.concatenate([gmf_out, x], axis=1)
    pred = (concat @ Wout + bout).squeeze(-1)
    return jax.nn.sigmoid(pred)

if __name__ == "__main__":
    import jax
    _d = setup_inputs()
    print(jax.jit(kernel)(*tuple(_d.values())))

</pallas_src>

<mosaic_0001>
#map = affine_map<(d0, d1) -> (0)>
#map1 = affine_map<(d0, d1) -> (0, 0)>
module attributes {stable_mosaic.version = 14 : i64} {
  func.func @k(%arg0: i32, %arg1: i32, %arg2: memref<16384xi32, #tpu.memory_space<hbm>>, %arg3: memref<16384xi32, #tpu.memory_space<hbm>>, %arg4: memref<100000x128xf32, #tpu.memory_space<hbm>>, %arg5: memref<16384x128xf32, #tpu.memory_space<hbm>>, %arg6: memref<16384x128xf32, #tpu.memory_space<hbm>>, %arg7: memref<512xi32, #tpu.memory_space<vmem>>, %arg8: memref<512xi32, #tpu.memory_space<vmem>>, %arg9: memref<128x128xf32, #tpu.memory_space<vmem>>, %arg10: memref<128x128xf32, #tpu.memory_space<vmem>>, %arg11: memref<128x128xf32, #tpu.memory_space<vmem>>, %arg12: memref<128x128xf32, #tpu.memory_space<vmem>>, %arg13: memref<!tpu.dma_semaphore, #tpu.memory_space<semaphore_mem>>, %arg14: memref<!tpu.dma_semaphore, #tpu.memory_space<semaphore_mem>>, %arg15: memref<!tpu.dma_semaphore, #tpu.memory_space<semaphore_mem>>, %arg16: memref<!tpu.dma_semaphore, #tpu.memory_space<semaphore_mem>>, %arg17: memref<!tpu.dma_semaphore, #tpu.memory_space<semaphore_mem>>, %arg18: memref<!tpu.dma_semaphore, #tpu.memory_space<semaphore_mem>>, %arg19: memref<!tpu.dma_semaphore, #tpu.memory_space<semaphore_mem>>, %arg20: memref<!tpu.dma_semaphore, #tpu.memory_space<semaphore_mem>>) attributes {dimension_semantics = [#tpu.dimension_semantics<core_parallel>, #tpu.dimension_semantics<subcore_parallel>], iteration_bounds = array<i64: 2, 16>, scalar_prefetch = 0 : i64, scratch_operands = 14 : i64, tpu.core_type = #tpu.core_type<sc_vector_subcore>, window_params = [{transform_indices = #map}, {transform_indices = #map}, {transform_indices = #map1}, {transform_indices = #map1}, {transform_indices = #map1}]} {
    %mul3A = arith.constant 2 : i32
    %mul3A_0 = arith.muli %arg1, %mul3A : i32
    %add3A = arith.addi %mul3A_0, %arg0 : i32
    %mul3A_1 = arith.constant 512 : i32
    %mul3A_2 = arith.muli %add3A, %mul3A_1 : i32
    "tpu.region"() ({
      %run_scoped3A = tpu.sem_alloc : memref<!tpu.dma_semaphore, #tpu.memory_space<semaphore_mem>>
      %dma_start3A_177 = tpu.memref_slice %arg2[%mul3A_2] : memref<16384xi32, #tpu.memory_space<hbm>> -> memref<512xi32, #tpu.memory_space<hbm>>
      %dma_start3A_178 = tpu.memref_slice %arg2[%mul3A_2] : memref<16384xi32, #tpu.memory_space<hbm>> -> memref<512xi32, #tpu.memory_space<hbm>>
      tpu.enqueue_dma source(%dma_start3A_178 : memref<512xi32, #tpu.memory_space<hbm>>) target(%arg7 : memref<512xi32, #tpu.memory_space<vmem>>) target_semaphore(%run_scoped3A : memref<!tpu.dma_semaphore, #tpu.memory_space<semaphore_mem>>)
      %dma_wait3A_179 = tpu.memref_slice %arg2[%mul3A_2] : memref<16384xi32, #tpu.memory_space<hbm>> -> memref<512xi32, #tpu.memory_space<hbm>>
      %dma_wait3A_180 = tpu.memref_slice %arg2[%mul3A_2] : memref<16384xi32, #tpu.memory_space<hbm>> -> memref<512xi32, #tpu.memory_space<hbm>>
      tpu.wait_dma2 semaphore(%run_scoped3A : memref<!tpu.dma_semaphore, #tpu.memory_space<semaphore_mem>>) src(%dma_wait3A_180 : memref<512xi32, #tpu.memory_space<hbm>>) dst(%arg7 : memref<512xi32, #tpu.memory_space<vmem>>)
      tpu.yield
    }) : () -> ()
    "tpu.region"() ({
      %run_scoped3A = tpu.sem_alloc : memref<!tpu.dma_semaphore, #tpu.memory_space<semaphore_mem>>
      %dma_start3A_177 = tpu.memref_slice %arg3[%mul3A_2] : memref<16384xi32, #tpu.memory_space<hbm>> -> memref<512xi32, #tpu.memory_space<hbm>>
      %dma_start3A_178 = tpu.memref_slice %arg3[%mul3A_2] : memref<16384xi32, #tpu.memory_space<hbm>> -> memref<512xi32, #tpu.memory_space<hbm>>
      tpu.enqueue_dma source(%dma_start3A_178 : memref<512xi32, #tpu.memory_space<hbm>>) target(%arg8 : memref<512xi32, #tpu.memory_space<vmem>>) target_semaphore(%run_scoped3A : memref<!tpu.dma_semaphore, #tpu.memory_space<semaphore_mem>>)
      %dma_wait3A_179 = tpu.memref_slice %arg3[%mul3A_2] : memref<16384xi32, #tpu.memory_space<hbm>> -> memref<512xi32, #tpu.memory_space<hbm>>
      %dma_wait3A_180 = tpu.memref_slice %arg3[%mul3A_2] : memref<16384xi32, #tpu.memory_space<hbm>> -> memref<512xi32, #tpu.memory_space<hbm>>
      tpu.wait_dma2 semaphore(%run_scoped3A : memref<!tpu.dma_semaphore, #tpu.memory_space<semaphore_mem>>) src(%dma_wait3A_180 : memref<512xi32, #tpu.memory_space<hbm>>) dst(%arg8 : memref<512xi32, #tpu.memory_space<vmem>>)
      tpu.yield
    }) : () -> ()
    %add3A_3 = arith.constant 0 : i32
    %add3A_4 = arith.addi %mul3A_2, %add3A_3 : i32
    %dma_start3A = arith.constant 0 : i32
    %dma_start3A_5 = tpu.memref_slice %arg7[%dma_start3A] : memref<512xi32, #tpu.memory_space<vmem>> -> memref<128xi32, #tpu.memory_space<vmem>>
    %dma_start3A_6 = arith.constant 0 : i32
    %dma_start3A_7 = arith.constant 0 : i32
    %dma_start3A_8 = tpu.memref_slice %arg4[%dma_start3A_6, %dma_start3A_7] : memref<100000x128xf32, #tpu.memory_space<hbm>> -> memref<100000x128xf32, #tpu.memory_space<hbm>>
    tpu.enqueue_indirect_dma source(%dma_start3A_8 : memref<100000x128xf32, #tpu.memory_space<hbm>>) target(%arg9 : memref<128x128xf32, #tpu.memory_space<vmem>>) offsets(%dma_start3A_5 : memref<128xi32, #tpu.memory_space<vmem>>) semaphore(%arg13 : memref<!tpu.dma_semaphore, #tpu.memory_space<semaphore_mem>>)
    %add3A_9 = arith.constant 0 : i32
    %add3A_10 = arith.addi %mul3A_2, %add3A_9 : i32
    %dma_start3A_11 = arith.constant 0 : i32
    %dma_start3A_12 = tpu.memref_slice %arg8[%dma_start3A_11] : memref<512xi32, #tpu.memory_space<vmem>> -> memref<128xi32, #tpu.memory_space<vmem>>
    %dma_start3A_13 = arith.constant 0 : i32
    %dma_start3A_14 = arith.constant 0 : i32
    %dma_start3A_15 = tpu.memref_slice %arg4[%dma_start3A_13, %dma_start3A_14] : memref<100000x128xf32, #tpu.memory_space<hbm>> -> memref<100000x128xf32, #tpu.memory_space<hbm>>
    tpu.enqueue_indirect_dma source(%dma_start3A_15 : memref<100000x128xf32, #tpu.memory_space<hbm>>) target(%arg10 : memref<128x128xf32, #tpu.memory_space<vmem>>) offsets(%dma_start3A_12 : memref<128xi32, #tpu.memory_space<vmem>>) semaphore(%arg14 : memref<!tpu.dma_semaphore, #tpu.memory_space<semaphore_mem>>)
    %add3A_16 = arith.constant 128 : i32
    %add3A_17 = arith.addi %mul3A_2, %add3A_16 : i32
    %dma_start3A_18 = arith.constant 128 : i32
    %dma_start3A_19 = tpu.memref_slice %arg7[%dma_start3A_18] : memref<512xi32, #tpu.memory_space<vmem>> -> memref<128xi32, #tpu.memory_space<vmem>>
    %dma_start3A_20 = arith.constant 0 : i32
    %dma_start3A_21 = arith.constant 0 : i32
    %dma_start3A_22 = tpu.memref_slice %arg4[%dma_start3A_20, %dma_start3A_21] : memref<100000x128xf32, #tpu.memory_space<hbm>> -> memref<100000x128xf32, #tpu.memory_space<hbm>>
    tpu.enqueue_indirect_dma source(%dma_start3A_22 : memref<100000x128xf32, #tpu.memory_space<hbm>>) target(%arg11 : memref<128x128xf32, #tpu.memory_space<vmem>>) offsets(%dma_start3A_19 : memref<128xi32, #tpu.memory_space<vmem>>) semaphore(%arg15 : memref<!tpu.dma_semaphore, #tpu.memory_space<semaphore_mem>>)
    %add3A_23 = arith.constant 128 : i32
    %add3A_24 = arith.addi %mul3A_2, %add3A_23 : i32
    %dma_start3A_25 = arith.constant 128 : i32
    %dma_start3A_26 = tpu.memref_slice %arg8[%dma_start3A_25] : memref<512xi32, #tpu.memory_space<vmem>> -> memref<128xi32, #tpu.memory_space<vmem>>
    %dma_start3A_27 = arith.constant 0 : i32
    %dma_start3A_28 = arith.constant 0 : i32
    %dma_start3A_29 = tpu.memref_slice %arg4[%dma_start3A_27, %dma_start3A_28] : memref<100000x128xf32, #tpu.memory_space<hbm>> -> memref<100000x128xf32, #tpu.memory_space<hbm>>
    tpu.enqueue_indirect_dma source(%dma_start3A_29 : memref<100000x128xf32, #tpu.memory_space<hbm>>) target(%arg12 : memref<128x128xf32, #tpu.memory_space<vmem>>) offsets(%dma_start3A_26 : memref<128xi32, #tpu.memory_space<vmem>>) semaphore(%arg16 : memref<!tpu.dma_semaphore, #tpu.memory_space<semaphore_mem>>)
    %dma_wait3A = arith.constant 0 : i32
    %dma_wait3A_30 = tpu.memref_slice %arg7[%dma_wait3A] : memref<512xi32, #tpu.memory_space<vmem>> -> memref<128xi32, #tpu.memory_space<vmem>>
    %dma_wait3A_31 = arith.constant 0 : i32
    %dma_wait3A_32 = arith.constant 0 : i32
    %dma_wait3A_33 = tpu.memref_slice %arg4[%dma_wait3A_31, %dma_wait3A_32] : memref<100000x128xf32, #tpu.memory_space<hbm>> -> memref<100000x128xf32, #tpu.memory_space<hbm>>
    tpu.wait_indirect_dma semaphore(%arg13 : memref<!tpu.dma_semaphore, #tpu.memory_space<semaphore_mem>>) src(%dma_wait3A_33 : memref<100000x128xf32, #tpu.memory_space<hbm>>) dst(%arg9 : memref<128x128xf32, #tpu.memory_space<vmem>>)
    %add3A_34 = arith.constant 0 : i32
    %add3A_35 = arith.addi %mul3A_2, %add3A_34 : i32
    %dma_start3A_36 = arith.constant 0 : i32
    %dma_start3A_37 = tpu.memref_slice %arg5[%add3A_35, %dma_start3A_36] : memref<16384x128xf32, #tpu.memory_space<hbm>> -> memref<128x128xf32, #tpu.memory_space<hbm>>
    %dma_start3A_38 = arith.constant 0 : i32
    %dma_start3A_39 = tpu.memref_slice %arg5[%add3A_35, %dma_start3A_38] : memref<16384x128xf32, #tpu.memory_space<hbm>> -> memref<128x128xf32, #tpu.memory_space<hbm>>
    tpu.enqueue_dma source(%arg9 : memref<128x128xf32, #tpu.memory_space<vmem>>) target(%dma_start3A_39 : memref<128x128xf32, #tpu.memory_space<hbm>>) target_semaphore(%arg17 : memref<!tpu.dma_semaphore, #tpu.memory_space<semaphore_mem>>)
    %dma_wait3A_40 = arith.constant 0 : i32
    %dma_wait3A_41 = tpu.memref_slice %arg5[%add3A_35, %dma_wait3A_40] : memref<16384x128xf32, #tpu.memory_space<hbm>> -> memref<128x128xf32, #tpu.memory_space<hbm>>
    %dma_wait3A_42 = arith.constant 0 : i32
    %dma_wait3A_43 = tpu.memref_slice %arg5[%add3A_35, %dma_wait3A_42] : memref<16384x128xf32, #tpu.memory_space<hbm>> -> memref<128x128xf32, #tpu.memory_space<hbm>>
    tpu.wait_dma2 semaphore(%arg17 : memref<!tpu.dma_semaphore, #tpu.memory_space<semaphore_mem>>) src(%arg9 : memref<128x128xf32, #tpu.memory_space<vmem>>) dst(%dma_wait3A_43 : memref<128x128xf32, #tpu.memory_space<hbm>>)
    %add3A_44 = arith.constant 256 : i32
    %add3A_45 = arith.addi %mul3A_2, %add3A_44 : i32
    %dma_start3A_46 = arith.constant 256 : i32
    %dma_start3A_47 = tpu.memref_slice %arg7[%dma_start3A_46] : memref<512xi32, #tpu.memory_space<vmem>> -> memref<128xi32, #tpu.memory_space<vmem>>
    %dma_start3A_48 = arith.constant 0 : i32
    %dma_start3A_49 = arith.constant 0 : i32
    %dma_start3A_50 = tpu.memref_slice %arg4[%dma_start3A_48, %dma_start3A_49] : memref<100000x128xf32, #tpu.memory_space<hbm>> -> memref<100000x128xf32, #tpu.memory_space<hbm>>
    tpu.enqueue_indirect_dma source(%dma_start3A_50 : memref<100000x128xf32, #tpu.memory_space<hbm>>) target(%arg9 : memref<128x128xf32, #tpu.memory_space<vmem>>) offsets(%dma_start3A_47 : memref<128xi32, #tpu.memory_space<vmem>>) semaphore(%arg13 : memref<!tpu.dma_semaphore, #tpu.memory_space<semaphore_mem>>)
    %dma_wait3A_51 = arith.constant 0 : i32
    %dma_wait3A_52 = tpu.memref_slice %arg8[%dma_wait3A_51] : memref<512xi32, #tpu.memory_space<vmem>> -> memref<128xi32, #tpu.memory_space<vmem>>
    %dma_wait3A_53 = arith.constant 0 : i32
    %dma_wait3A_54 = arith.constant 0 : i32
    %dma_wait3A_55 = tpu.memref_slice %arg4[%dma_wait3A_53, %dma_wait3A_54] : memref<100000x128xf32, #tpu.memory_space<hbm>> -> memref<100000x128xf32, #tpu.memory_space<hbm>>
    tpu.wait_indirect_dma semaphore(%arg14 : memref<!tpu.dma_semaphore, #tpu.memory_space<semaphore_mem>>) src(%dma_wait3A_55 : memref<100000x128xf32, #tpu.memory_space<hbm>>) dst(%arg10 : memref<128x128xf32, #tpu.memory_space<vmem>>)
    %add3A_56 = arith.constant 0 : i32
    %add3A_57 = arith.addi %mul3A_2, %add3A_56 : i32
    %dma_start3A_58 = arith.constant 0 : i32
    %dma_start3A_59 = tpu.memref_slice %arg6[%add3A_57, %dma_start3A_58] : memref<16384x128xf32, #tpu.memory_space<hbm>> -> memref<128x128xf32, #tpu.memory_space<hbm>>
    %dma_start3A_60 = arith.constant 0 : i32
    %dma_start3A_61 = tpu.memref_slice %arg6[%add3A_57, %dma_start3A_60] : memref<16384x128xf32, #tpu.memory_space<hbm>> -> memref<128x128xf32, #tpu.memory_space<hbm>>
    tpu.enqueue_dma source(%arg10 : memref<128x128xf32, #tpu.memory_space<vmem>>) target(%dma_start3A_61 : memref<128x128xf32, #tpu.memory_space<hbm>>) target_semaphore(%arg18 : memref<!tpu.dma_semaphore, #tpu.memory_space<semaphore_mem>>)
    %dma_wait3A_62 = arith.constant 0 : i32
    %dma_wait3A_63 = tpu.memref_slice %arg6[%add3A_57, %dma_wait3A_62] : memref<16384x128xf32, #tpu.memory_space<hbm>> -> memref<128x128xf32, #tpu.memory_space<hbm>>
    %dma_wait3A_64 = arith.constant 0 : i32
    %dma_wait3A_65 = tpu.memref_slice %arg6[%add3A_57, %dma_wait3A_64] : memref<16384x128xf32, #tpu.memory_space<hbm>> -> memref<128x128xf32, #tpu.memory_space<hbm>>
    tpu.wait_dma2 semaphore(%arg18 : memref<!tpu.dma_semaphore, #tpu.memory_space<semaphore_mem>>) src(%arg10 : memref<128x128xf32, #tpu.memory_space<vmem>>) dst(%dma_wait3A_65 : memref<128x128xf32, #tpu.memory_space<hbm>>)
    %add3A_66 = arith.constant 256 : i32
    %add3A_67 = arith.addi %mul3A_2, %add3A_66 : i32
    %dma_start3A_68 = arith.constant 256 : i32
    %dma_start3A_69 = tpu.memref_slice %arg8[%dma_start3A_68] : memref<512xi32, #tpu.memory_space<vmem>> -> memref<128xi32, #tpu.memory_space<vmem>>
    %dma_start3A_70 = arith.constant 0 : i32
    %dma_start3A_71 = arith.constant 0 : i32
    %dma_start3A_72 = tpu.memref_slice %arg4[%dma_start3A_70, %dma_start3A_71] : memref<100000x128xf32, #tpu.memory_space<hbm>> -> memref<100000x128xf32, #tpu.memory_space<hbm>>
    tpu.enqueue_indirect_dma source(%dma_start3A_72 : memref<100000x128xf32, #tpu.memory_space<hbm>>) target(%arg10 : memref<128x128xf32, #tpu.memory_space<vmem>>) offsets(%dma_start3A_69 : memref<128xi32, #tpu.memory_space<vmem>>) semaphore(%arg14 : memref<!tpu.dma_semaphore, #tpu.memory_space<semaphore_mem>>)
    %dma_wait3A_73 = arith.constant 128 : i32
    %dma_wait3A_74 = tpu.memref_slice %arg7[%dma_wait3A_73] : memref<512xi32, #tpu.memory_space<vmem>> -> memref<128xi32, #tpu.memory_space<vmem>>
    %dma_wait3A_75 = arith.constant 0 : i32
    %dma_wait3A_76 = arith.constant 0 : i32
    %dma_wait3A_77 = tpu.memref_slice %arg4[%dma_wait3A_75, %dma_wait3A_76] : memref<100000x128xf32, #tpu.memory_space<hbm>> -> memref<100000x128xf32, #tpu.memory_space<hbm>>
    tpu.wait_indirect_dma semaphore(%arg15 : memref<!tpu.dma_semaphore, #tpu.memory_space<semaphore_mem>>) src(%dma_wait3A_77 : memref<100000x128xf32, #tpu.memory_space<hbm>>) dst(%arg11 : memref<128x128xf32, #tpu.memory_space<vmem>>)
    %add3A_78 = arith.constant 128 : i32
    %add3A_79 = arith.addi %mul3A_2, %add3A_78 : i32
    %dma_start3A_80 = arith.constant 0 : i32
    %dma_start3A_81 = tpu.memref_slice %arg5[%add3A_79, %dma_start3A_80] : memref<16384x128xf32, #tpu.memory_space<hbm>> -> memref<128x128xf32, #tpu.memory_space<hbm>>
    %dma_start3A_82 = arith.constant 0 : i32
    %dma_start3A_83 = tpu.memref_slice %arg5[%add3A_79, %dma_start3A_82] : memref<16384x128xf32, #tpu.memory_space<hbm>> -> memref<128x128xf32, #tpu.memory_space<hbm>>
    tpu.enqueue_dma source(%arg11 : memref<128x128xf32, #tpu.memory_space<vmem>>) target(%dma_start3A_83 : memref<128x128xf32, #tpu.memory_space<hbm>>) target_semaphore(%arg19 : memref<!tpu.dma_semaphore, #tpu.memory_space<semaphore_mem>>)
    %dma_wait3A_84 = arith.constant 0 : i32
    %dma_wait3A_85 = tpu.memref_slice %arg5[%add3A_79, %dma_wait3A_84] : memref<16384x128xf32, #tpu.memory_space<hbm>> -> memref<128x128xf32, #tpu.memory_space<hbm>>
    %dma_wait3A_86 = arith.constant 0 : i32
    %dma_wait3A_87 = tpu.memref_slice %arg5[%add3A_79, %dma_wait3A_86] : memref<16384x128xf32, #tpu.memory_space<hbm>> -> memref<128x128xf32, #tpu.memory_space<hbm>>
    tpu.wait_dma2 semaphore(%arg19 : memref<!tpu.dma_semaphore, #tpu.memory_space<semaphore_mem>>) src(%arg11 : memref<128x128xf32, #tpu.memory_space<vmem>>) dst(%dma_wait3A_87 : memref<128x128xf32, #tpu.memory_space<hbm>>)
    %add3A_88 = arith.constant 384 : i32
    %add3A_89 = arith.addi %mul3A_2, %add3A_88 : i32
    %dma_start3A_90 = arith.constant 384 : i32
    %dma_start3A_91 = tpu.memref_slice %arg7[%dma_start3A_90] : memref<512xi32, #tpu.memory_space<vmem>> -> memref<128xi32, #tpu.memory_space<vmem>>
    %dma_start3A_92 = arith.constant 0 : i32
    %dma_start3A_93 = arith.constant 0 : i32
    %dma_start3A_94 = tpu.memref_slice %arg4[%dma_start3A_92, %dma_start3A_93] : memref<100000x128xf32, #tpu.memory_space<hbm>> -> memref<100000x128xf32, #tpu.memory_space<hbm>>
    tpu.enqueue_indirect_dma source(%dma_start3A_94 : memref<100000x128xf32, #tpu.memory_space<hbm>>) target(%arg11 : memref<128x128xf32, #tpu.memory_space<vmem>>) offsets(%dma_start3A_91 : memref<128xi32, #tpu.memory_space<vmem>>) semaphore(%arg15 : memref<!tpu.dma_semaphore, #tpu.memory_space<semaphore_mem>>)
    %dma_wait3A_95 = arith.constant 128 : i32
    %dma_wait3A_96 = tpu.memref_slice %arg8[%dma_wait3A_95] : memref<512xi32, #tpu.memory_space<vmem>> -> memref<128xi32, #tpu.memory_space<vmem>>
    %dma_wait3A_97 = arith.constant 0 : i32
    %dma_wait3A_98 = arith.constant 0 : i32
    %dma_wait3A_99 = tpu.memref_slice %arg4[%dma_wait3A_97, %dma_wait3A_98] : memref<100000x128xf32, #tpu.memory_space<hbm>> -> memref<100000x128xf32, #tpu.memory_space<hbm>>
    tpu.wait_indirect_dma semaphore(%arg16 : memref<!tpu.dma_semaphore, #tpu.memory_space<semaphore_mem>>) src(%dma_wait3A_99 : memref<100000x128xf32, #tpu.memory_space<hbm>>) dst(%arg12 : memref<128x128xf32, #tpu.memory_space<vmem>>)
    %add3A_100 = arith.constant 128 : i32
    %add3A_101 = arith.addi %mul3A_2, %add3A_100 : i32
    %dma_start3A_102 = arith.constant 0 : i32
    %dma_start3A_103 = tpu.memref_slice %arg6[%add3A_101, %dma_start3A_102] : memref<16384x128xf32, #tpu.memory_space<hbm>> -> memref<128x128xf32, #tpu.memory_space<hbm>>
    %dma_start3A_104 = arith.constant 0 : i32
    %dma_start3A_105 = tpu.memref_slice %arg6[%add3A_101, %dma_start3A_104] : memref<16384x128xf32, #tpu.memory_space<hbm>> -> memref<128x128xf32, #tpu.memory_space<hbm>>
    tpu.enqueue_dma source(%arg12 : memref<128x128xf32, #tpu.memory_space<vmem>>) target(%dma_start3A_105 : memref<128x128xf32, #tpu.memory_space<hbm>>) target_semaphore(%arg20 : memref<!tpu.dma_semaphore, #tpu.memory_space<semaphore_mem>>)
    %dma_wait3A_106 = arith.constant 0 : i32
    %dma_wait3A_107 = tpu.memref_slice %arg6[%add3A_101, %dma_wait3A_106] : memref<16384x128xf32, #tpu.memory_space<hbm>> -> memref<128x128xf32, #tpu.memory_space<hbm>>
    %dma_wait3A_108 = arith.constant 0 : i32
    %dma_wait3A_109 = tpu.memref_slice %arg6[%add3A_101, %dma_wait3A_108] : memref<16384x128xf32, #tpu.memory_space<hbm>> -> memref<128x128xf32, #tpu.memory_space<hbm>>
    tpu.wait_dma2 semaphore(%arg20 : memref<!tpu.dma_semaphore, #tpu.memory_space<semaphore_mem>>) src(%arg12 : memref<128x128xf32, #tpu.memory_space<vmem>>) dst(%dma_wait3A_109 : memref<128x128xf32, #tpu.memory_space<hbm>>)
    %add3A_110 = arith.constant 384 : i32
    %add3A_111 = arith.addi %mul3A_2, %add3A_110 : i32
    %dma_start3A_112 = arith.constant 384 : i32
    %dma_start3A_113 = tpu.memref_slice %arg8[%dma_start3A_112] : memref<512xi32, #tpu.memory_space<vmem>> -> memref<128xi32, #tpu.memory_space<vmem>>
    %dma_start3A_114 = arith.constant 0 : i32
    %dma_start3A_115 = arith.constant 0 : i32
    %dma_start3A_116 = tpu.memref_slice %arg4[%dma_start3A_114, %dma_start3A_115] : memref<100000x128xf32, #tpu.memory_space<hbm>> -> memref<100000x128xf32, #tpu.memory_space<hbm>>
    tpu.enqueue_indirect_dma source(%dma_start3A_116 : memref<100000x128xf32, #tpu.memory_space<hbm>>) target(%arg12 : memref<128x128xf32, #tpu.memory_space<vmem>>) offsets(%dma_start3A_113 : memref<128xi32, #tpu.memory_space<vmem>>) semaphore(%arg16 : memref<!tpu.dma_semaphore, #tpu.memory_space<semaphore_mem>>)
    %dma_wait3A_117 = arith.constant 256 : i32
    %dma_wait3A_118 = tpu.memref_slice %arg7[%dma_wait3A_117] : memref<512xi32, #tpu.memory_space<vmem>> -> memref<128xi32, #tpu.memory_space<vmem>>
    %dma_wait3A_119 = arith.constant 0 : i32
    %dma_wait3A_120 = arith.constant 0 : i32
    %dma_wait3A_121 = tpu.memref_slice %arg4[%dma_wait3A_119, %dma_wait3A_120] : memref<100000x128xf32, #tpu.memory_space<hbm>> -> memref<100000x128xf32, #tpu.memory_space<hbm>>
    tpu.wait_indirect_dma semaphore(%arg13 : memref<!tpu.dma_semaphore, #tpu.memory_space<semaphore_mem>>) src(%dma_wait3A_121 : memref<100000x128xf32, #tpu.memory_space<hbm>>) dst(%arg9 : memref<128x128xf32, #tpu.memory_space<vmem>>)
    %add3A_122 = arith.constant 256 : i32
    %add3A_123 = arith.addi %mul3A_2, %add3A_122 : i32
    %dma_start3A_124 = arith.constant 0 : i32
    %dma_start3A_125 = tpu.memref_slice %arg5[%add3A_123, %dma_start3A_124] : memref<16384x128xf32, #tpu.memory_space<hbm>> -> memref<128x128xf32, #tpu.memory_space<hbm>>
    %dma_start3A_126 = arith.constant 0 : i32
    %dma_start3A_127 = tpu.memref_slice %arg5[%add3A_123, %dma_start3A_126] : memref<16384x128xf32, #tpu.memory_space<hbm>> -> memref<128x128xf32, #tpu.memory_space<hbm>>
    tpu.enqueue_dma source(%arg9 : memref<128x128xf32, #tpu.memory_space<vmem>>) target(%dma_start3A_127 : memref<128x128xf32, #tpu.memory_space<hbm>>) target_semaphore(%arg17 : memref<!tpu.dma_semaphore, #tpu.memory_space<semaphore_mem>>)
    %dma_wait3A_128 = arith.constant 256 : i32
    %dma_wait3A_129 = tpu.memref_slice %arg8[%dma_wait3A_128] : memref<512xi32, #tpu.memory_space<vmem>> -> memref<128xi32, #tpu.memory_space<vmem>>
    %dma_wait3A_130 = arith.constant 0 : i32
    %dma_wait3A_131 = arith.constant 0 : i32
    %dma_wait3A_132 = tpu.memref_slice %arg4[%dma_wait3A_130, %dma_wait3A_131] : memref<100000x128xf32, #tpu.memory_space<hbm>> -> memref<100000x128xf32, #tpu.memory_space<hbm>>
    tpu.wait_indirect_dma semaphore(%arg14 : memref<!tpu.dma_semaphore, #tpu.memory_space<semaphore_mem>>) src(%dma_wait3A_132 : memref<100000x128xf32, #tpu.memory_space<hbm>>) dst(%arg10 : memref<128x128xf32, #tpu.memory_space<vmem>>)
    %add3A_133 = arith.constant 256 : i32
    %add3A_134 = arith.addi %mul3A_2, %add3A_133 : i32
    %dma_start3A_135 = arith.constant 0 : i32
    %dma_start3A_136 = tpu.memref_slice %arg6[%add3A_134, %dma_start3A_135] : memref<16384x128xf32, #tpu.memory_space<hbm>> -> memref<128x128xf32, #tpu.memory_space<hbm>>
    %dma_start3A_137 = arith.constant 0 : i32
    %dma_start3A_138 = tpu.memref_slice %arg6[%add3A_134, %dma_start3A_137] : memref<16384x128xf32, #tpu.memory_space<hbm>> -> memref<128x128xf32, #tpu.memory_space<hbm>>
    tpu.enqueue_dma source(%arg10 : memref<128x128xf32, #tpu.memory_space<vmem>>) target(%dma_start3A_138 : memref<128x128xf32, #tpu.memory_space<hbm>>) target_semaphore(%arg18 : memref<!tpu.dma_semaphore, #tpu.memory_space<semaphore_mem>>)
    %dma_wait3A_139 = arith.constant 384 : i32
    %dma_wait3A_140 = tpu.memref_slice %arg7[%dma_wait3A_139] : memref<512xi32, #tpu.memory_space<vmem>> -> memref<128xi32, #tpu.memory_space<vmem>>
    %dma_wait3A_141 = arith.constant 0 : i32
    %dma_wait3A_142 = arith.constant 0 : i32
    %dma_wait3A_143 = tpu.memref_slice %arg4[%dma_wait3A_141, %dma_wait3A_142] : memref<100000x128xf32, #tpu.memory_space<hbm>> -> memref<100000x128xf32, #tpu.memory_space<hbm>>
    tpu.wait_indirect_dma semaphore(%arg15 : memref<!tpu.dma_semaphore, #tpu.memory_space<semaphore_mem>>) src(%dma_wait3A_143 : memref<100000x128xf32, #tpu.memory_space<hbm>>) dst(%arg11 : memref<128x128xf32, #tpu.memory_space<vmem>>)
    %add3A_144 = arith.constant 384 : i32
    %add3A_145 = arith.addi %mul3A_2, %add3A_144 : i32
    %dma_start3A_146 = arith.constant 0 : i32
    %dma_start3A_147 = tpu.memref_slice %arg5[%add3A_145, %dma_start3A_146] : memref<16384x128xf32, #tpu.memory_space<hbm>> -> memref<128x128xf32, #tpu.memory_space<hbm>>
    %dma_start3A_148 = arith.constant 0 : i32
    %dma_start3A_149 = tpu.memref_slice %arg5[%add3A_145, %dma_start3A_148] : memref<16384x128xf32, #tpu.memory_space<hbm>> -> memref<128x128xf32, #tpu.memory_space<hbm>>
    tpu.enqueue_dma source(%arg11 : memref<128x128xf32, #tpu.memory_space<vmem>>) target(%dma_start3A_149 : memref<128x128xf32, #tpu.memory_space<hbm>>) target_semaphore(%arg19 : memref<!tpu.dma_semaphore, #tpu.memory_space<semaphore_mem>>)
    %dma_wait3A_150 = arith.constant 384 : i32
    %dma_wait3A_151 = tpu.memref_slice %arg8[%dma_wait3A_150] : memref<512xi32, #tpu.memory_space<vmem>> -> memref<128xi32, #tpu.memory_space<vmem>>
    %dma_wait3A_152 = arith.constant 0 : i32
    %dma_wait3A_153 = arith.constant 0 : i32
    %dma_wait3A_154 = tpu.memref_slice %arg4[%dma_wait3A_152, %dma_wait3A_153] : memref<100000x128xf32, #tpu.memory_space<hbm>> -> memref<100000x128xf32, #tpu.memory_space<hbm>>
    tpu.wait_indirect_dma semaphore(%arg16 : memref<!tpu.dma_semaphore, #tpu.memory_space<semaphore_mem>>) src(%dma_wait3A_154 : memref<100000x128xf32, #tpu.memory_space<hbm>>) dst(%arg12 : memref<128x128xf32, #tpu.memory_space<vmem>>)
    %add3A_155 = arith.constant 384 : i32
    %add3A_156 = arith.addi %mul3A_2, %add3A_155 : i32
    %dma_start3A_157 = arith.constant 0 : i32
    %dma_start3A_158 = tpu.memref_slice %arg6[%add3A_156, %dma_start3A_157] : memref<16384x128xf32, #tpu.memory_space<hbm>> -> memref<128x128xf32, #tpu.memory_space<hbm>>
    %dma_start3A_159 = arith.constant 0 : i32
    %dma_start3A_160 = tpu.memref_slice %arg6[%add3A_156, %dma_start3A_159] : memref<16384x128xf32, #tpu.memory_space<hbm>> -> memref<128x128xf32, #tpu.memory_space<hbm>>
    tpu.enqueue_dma source(%arg12 : memref<128x128xf32, #tpu.memory_space<vmem>>) target(%dma_start3A_160 : memref<128x128xf32, #tpu.memory_space<hbm>>) target_semaphore(%arg20 : memref<!tpu.dma_semaphore, #tpu.memory_space<semaphore_mem>>)
    %dma_wait3A_161 = arith.constant 0 : i32
    %dma_wait3A_162 = tpu.memref_slice %arg5[%add3A_123, %dma_wait3A_161] : memref<16384x128xf32, #tpu.memory_space<hbm>> -> memref<128x128xf32, #tpu.memory_space<hbm>>
    %dma_wait3A_163 = arith.constant 0 : i32
    %dma_wait3A_164 = tpu.memref_slice %arg5[%add3A_123, %dma_wait3A_163] : memref<16384x128xf32, #tpu.memory_space<hbm>> -> memref<128x128xf32, #tpu.memory_space<hbm>>
    tpu.wait_dma2 semaphore(%arg17 : memref<!tpu.dma_semaphore, #tpu.memory_space<semaphore_mem>>) src(%arg9 : memref<128x128xf32, #tpu.memory_space<vmem>>) dst(%dma_wait3A_164 : memref<128x128xf32, #tpu.memory_space<hbm>>)
    %dma_wait3A_165 = arith.constant 0 : i32
    %dma_wait3A_166 = tpu.memref_slice %arg6[%add3A_134, %dma_wait3A_165] : memref<16384x128xf32, #tpu.memory_space<hbm>> -> memref<128x128xf32, #tpu.memory_space<hbm>>
    %dma_wait3A_167 = arith.constant 0 : i32
    %dma_wait3A_168 = tpu.memref_slice %arg6[%add3A_134, %dma_wait3A_167] : memref<16384x128xf32, #tpu.memory_space<hbm>> -> memref<128x128xf32, #tpu.memory_space<hbm>>
    tpu.wait_dma2 semaphore(%arg18 : memref<!tpu.dma_semaphore, #tpu.memory_space<semaphore_mem>>) src(%arg10 : memref<128x128xf32, #tpu.memory_space<vmem>>) dst(%dma_wait3A_168 : memref<128x128xf32, #tpu.memory_space<hbm>>)
    %dma_wait3A_169 = arith.constant 0 : i32
    %dma_wait3A_170 = tpu.memref_slice %arg5[%add3A_145, %dma_wait3A_169] : memref<16384x128xf32, #tpu.memory_space<hbm>> -> memref<128x128xf32, #tpu.memory_space<hbm>>
    %dma_wait3A_171 = arith.constant 0 : i32
    %dma_wait3A_172 = tpu.memref_slice %arg5[%add3A_145, %dma_wait3A_171] : memref<16384x128xf32, #tpu.memory_space<hbm>> -> memref<128x128xf32, #tpu.memory_space<hbm>>
    tpu.wait_dma2 semaphore(%arg19 : memref<!tpu.dma_semaphore, #tpu.memory_space<semaphore_mem>>) src(%arg11 : memref<128x128xf32, #tpu.memory_space<vmem>>) dst(%dma_wait3A_172 : memref<128x128xf32, #tpu.memory_space<hbm>>)
    %dma_wait3A_173 = arith.constant 0 : i32
    %dma_wait3A_174 = tpu.memref_slice %arg6[%add3A_156, %dma_wait3A_173] : memref<16384x128xf32, #tpu.memory_space<hbm>> -> memref<128x128xf32, #tpu.memory_space<hbm>>
    %dma_wait3A_175 = arith.constant 0 : i32
    %dma_wait3A_176 = tpu.memref_slice %arg6[%add3A_156, %dma_wait3A_175] : memref<16384x128xf32, #tpu.memory_space<hbm>> -> memref<128x128xf32, #tpu.memory_space<hbm>>
    tpu.wait_dma2 semaphore(%arg20 : memref<!tpu.dma_semaphore, #tpu.memory_space<semaphore_mem>>) src(%arg12 : memref<128x128xf32, #tpu.memory_space<vmem>>) dst(%dma_wait3A_176 : memref<128x128xf32, #tpu.memory_space<hbm>>)
    return
  }
}

module attributes {stable_mosaic.version = 14 : i64} {
  func.func @_build_body(%arg0: i32, %arg1: memref<64x8192xf32, #tpu.memory_space<vmem>>, %arg2: memref<64x8192xf32, #tpu.memory_space<vmem>>, %arg3: memref<64x8192xf32, #tpu.memory_space<vmem>>, %arg4: memref<64x8192xf32, #tpu.memory_space<vmem>>, %arg5: memref<64x128xbf16, #tpu.memory_space<vmem>>, %arg6: memref<64x128xbf16, #tpu.memory_space<vmem>>, %arg7: memref<8192x128xf32, #tpu.memory_space<vmem>>) attributes {dimension_semantics = [#tpu.dimension_semantics<arbitrary>], iteration_bounds = array<i64: 13>, scalar_prefetch = 0 : i64, scratch_operands = 0 : i64, tpu.core_type = #tpu.core_type<tc>, window_params = [{transform_indices = @transform_0, window_bounds = array<i64: 64, 8192>}, {transform_indices = @transform_1, window_bounds = array<i64: 64, 8192>}, {transform_indices = @transform_2, window_bounds = array<i64: 64, 8192>}, {transform_indices = @transform_3, window_bounds = array<i64: 64, 8192>}, {pipeline_mode = #tpu.pipeline_mode<synchronous>, transform_indices = @transform_4, window_bounds = array<i64: 64, 128>}, {pipeline_mode = #tpu.pipeline_mode<synchronous>, transform_indices = @transform_5, window_bounds = array<i64: 64, 128>}, {transform_indices = @transform_6, window_bounds = array<i64: 8192, 128>}]} {
    %get3A = arith.constant 0 : index
    %get3A_0 = arith.constant 0 : index
    %get3A_1 = vector.load %arg1[%get3A, %get3A_0] : memref<64x8192xf32, #tpu.memory_space<vmem>>, vector<64x8192xf32>
    %convert_element_type3A = arith.truncf %get3A_1 : vector<64x8192xf32> to vector<64x8192xbf16>
    %transpose3A = tpu.transpose %convert_element_type3A, [1, 0] : vector<64x8192xbf16> -> vector<8192x64xbf16>
    %get3A_2 = arith.constant 0 : index
    %get3A_3 = arith.constant 0 : index
    %get3A_4 = vector.load %arg2[%get3A_2, %get3A_3] : memref<64x8192xf32, #tpu.memory_space<vmem>>, vector<64x8192xf32>
    %convert_element_type3A_5 = arith.truncf %get3A_4 : vector<64x8192xf32> to vector<64x8192xbf16>
    %transpose3A_6 = tpu.transpose %convert_element_type3A_5, [1, 0] : vector<64x8192xbf16> -> vector<8192x64xbf16>
    %concatenate3A = tpu.concatenate %transpose3A, %transpose3A_6 in 1 : vector<8192x64xbf16>, vector<8192x64xbf16> -> vector<8192x128xbf16>
    %get3A_7 = arith.constant 0 : index
    %get3A_8 = arith.constant 0 : index
    %get3A_9 = vector.load %arg3[%get3A_7, %get3A_8] : memref<64x8192xf32, #tpu.memory_space<vmem>>, vector<64x8192xf32>
    %convert_element_type3A_10 = arith.truncf %get3A_9 : vector<64x8192xf32> to vector<64x8192xbf16>
    %get3A_11 = arith.constant 0 : index
    %get3A_12 = arith.constant 0 : index
    %get3A_13 = vector.load %arg5[%get3A_11, %get3A_12] : memref<64x128xbf16, #tpu.memory_space<vmem>>, vector<64x128xbf16>
    %dot_general3A = arith.constant dense<0.000000e+00> : vector<8192x128xf32>
    %dot_general3A_14 = tpu.matmul %convert_element_type3A_10, %get3A_13, %dot_general3A {dimension_numbers = #tpu.dot_dimension_numbers<[0], [0], [1], [1], [0, 1, 1, 1], [], []>, transpose_lhs_hint = false} : vector<64x8192xbf16>, vector<64x128xbf16>, vector<8192x128xf32> -> vector<8192x128xf32>
    %get3A_15 = arith.constant 0 : index
    %get3A_16 = arith.constant 0 : index
    %get3A_17 = vector.load %arg4[%get3A_15, %get3A_16] : memref<64x8192xf32, #tpu.memory_space<vmem>>, vector<64x8192xf32>
    %convert_element_type3A_18 = arith.truncf %get3A_17 : vector<64x8192xf32> to vector<64x8192xbf16>
    %get3A_19 = arith.constant 0 : index
    %get3A_20 = arith.constant 0 : index
    %get3A_21 = vector.load %arg6[%get3A_19, %get3A_20] : memref<64x128xbf16, #tpu.memory_space<vmem>>, vector<64x128xbf16>
    %dot_general3A_22 = arith.constant dense<0.000000e+00> : vector<8192x128xf32>
    %dot_general3A_23 = tpu.matmul %convert_element_type3A_18, %get3A_21, %dot_general3A_22 {dimension_numbers = #tpu.dot_dimension_numbers<[0], [0], [1], [1], [0, 1, 1, 1], [], []>, transpose_lhs_hint = false} : vector<64x8192xbf16>, vector<64x128xbf16>, vector<8192x128xf32> -> vector<8192x128xf32>
    %add3A = arith.addf %dot_general3A_14, %dot_general3A_23 : vector<8192x128xf32>
    %bitcast_convert_type3A = tpu.bitcast %concatenate3A : vector<8192x128xbf16> -> vector<8192x128xi16>
    %convert_element_type3A_24 = arith.extui %bitcast_convert_type3A : vector<8192x128xi16> to vector<8192x128xi32>
    %bitcast_convert_type3A_25 = tpu.bitcast %add3A : vector<8192x128xf32> -> vector<8192x128xi32>
    %and3A = arith.constant -65536 : i32
    %and3A_26 = vector.broadcast %and3A : i32 to vector<8192x128xi32>
    %and3A_27 = arith.andi %bitcast_convert_type3A_25, %and3A_26 : vector<8192x128xi32>
    %or3A = arith.ori %and3A_27, %convert_element_type3A_24 : vector<8192x128xi32>
    %bitcast_convert_type3A_28 = tpu.bitcast %or3A : vector<8192x128xi32> -> vector<8192x128xf32>
    %swap3A = arith.constant 0 : index
    %swap3A_29 = arith.constant 0 : index
    %swap3A_30 = vector.load %arg7[%swap3A, %swap3A_29] : memref<8192x128xf32, #tpu.memory_space<vmem>>, vector<8192x128xf32>
    tpu.vector_store %arg7[%swap3A, %swap3A_29], %bitcast_convert_type3A_28 {strides = array<i32>} : memref<8192x128xf32, #tpu.memory_space<vmem>>, vector<8192x128xf32>,
    return
  }
  func.func @transform_0(%arg0: i32) -> (i32, i32) {
    %c0_i32 = arith.constant 0 : i32
    %c0_i32_0 = arith.constant 0 : i32
    return %c0_i32, %arg0 : i32, i32
  }
  func.func @transform_1(%arg0: i32) -> (i32, i32) {
    %c0_i32 = arith.constant 0 : i32
    %c0_i32_0 = arith.constant 0 : i32
    return %c0_i32, %arg0 : i32, i32
  }
  func.func @transform_2(%arg0: i32) -> (i32, i32) {
    %c0_i32 = arith.constant 0 : i32
    %c0_i32_0 = arith.constant 0 : i32
    return %c0_i32, %arg0 : i32, i32
  }
  func.func @transform_3(%arg0: i32) -> (i32, i32) {
    %c0_i32 = arith.constant 0 : i32
    %c0_i32_0 = arith.constant 0 : i32
    return %c0_i32, %arg0 : i32, i32
  }
  func.func @transform_4(%arg0: i32) -> (i32, i32) {
    %c0_i32 = arith.constant 0 : i32
    %c0_i32_0 = arith.constant 0 : i32
    %c0_i32_1 = arith.constant 0 : i32
    return %c0_i32, %c0_i32_0 : i32, i32
  }
  func.func @transform_5(%arg0: i32) -> (i32, i32) {
    %c0_i32 = arith.constant 0 : i32
    %c0_i32_0 = arith.constant 0 : i32
    %c0_i32_1 = arith.constant 0 : i32
    return %c0_i32, %c0_i32_0 : i32, i32
  }
  func.func @transform_6(%arg0: i32) -> (i32, i32) {
    %c0_i32 = arith.constant 0 : i32
    %c0_i32_0 = arith.constant 0 : i32
    return %arg0, %c0_i32 : i32, i32
  }
}

module attributes {stable_mosaic.version = 14 : i64} {
  func.func @_tc_body(%arg0: i32, %arg1: memref<2048x128xf32, #tpu.memory_space<vmem>>, %arg2: memref<2048x128xf32, #tpu.memory_space<vmem>>, %arg3: memref<128x128xbf16, #tpu.memory_space<vmem>>, %arg4: memref<128x128xbf16, #tpu.memory_space<vmem>>, %arg5: memref<1x128xf32, #tpu.memory_space<vmem>>, %arg6: memref<64x128xf32, #tpu.memory_space<vmem>>, %arg7: memref<1x64xf32, #tpu.memory_space<vmem>>, %arg8: memref<32x64xf32, #tpu.memory_space<vmem>>, %arg9: memref<1x32xf32, #tpu.memory_space<vmem>>, %arg10: memref<16x32xf32, #tpu.memory_space<vmem>>, %arg11: memref<1x16xf32, #tpu.memory_space<vmem>>, %arg12: memref<1x128xf32, #tpu.memory_space<vmem>>, %arg13: memref<1x16xf32, #tpu.memory_space<vmem>>, %arg14: memref<1x1xf32, #tpu.memory_space<vmem>>, %arg15: memref<2048xf32, #tpu.memory_space<vmem>>) attributes {dimension_semantics = [#tpu.dimension_semantics<parallel>], iteration_bounds = array<i64: 8>, scalar_prefetch = 0 : i64, scratch_operands = 0 : i64, tpu.core_type = #tpu.core_type<tc>, window_params = [{transform_indices = @transform_0, window_bounds = array<i64: 2048, 128>}, {transform_indices = @transform_1, window_bounds = array<i64: 2048, 128>}, {pipeline_mode = #tpu.pipeline_mode<synchronous>, transform_indices = @transform_2, window_bounds = array<i64: 128, 128>}, {pipeline_mode = #tpu.pipeline_mode<synchronous>, transform_indices = @transform_3, window_bounds = array<i64: 128, 128>}, {pipeline_mode = #tpu.pipeline_mode<synchronous>, transform_indices = @transform_4, window_bounds = array<i64: 1, 128>}, {pipeline_mode = #tpu.pipeline_mode<synchronous>, transform_indices = @transform_5, window_bounds = array<i64: 64, 128>}, {pipeline_mode = #tpu.pipeline_mode<synchronous>, transform_indices = @transform_6, window_bounds = array<i64: 1, 64>}, {pipeline_mode = #tpu.pipeline_mode<synchronous>, transform_indices = @transform_7, window_bounds = array<i64: 32, 64>}, {pipeline_mode = #tpu.pipeline_mode<synchronous>, transform_indices = @transform_8, window_bounds = array<i64: 1, 32>}, {pipeline_mode = #tpu.pipeline_mode<synchronous>, transform_indices = @transform_9, window_bounds = array<i64: 16, 32>}, {pipeline_mode = #tpu.pipeline_mode<synchronous>, transform_indices = @transform_10, window_bounds = array<i64: 1, 16>}, {pipeline_mode = #tpu.pipeline_mode<synchronous>, transform_indices = @transform_11, window_bounds = array<i64: 1, 128>}, {pipeline_mode = #tpu.pipeline_mode<synchronous>, transform_indices = @transform_12, window_bounds = array<i64: 1, 16>}, {pipeline_mode = #tpu.pipeline_mode<synchronous>, transform_indices = @transform_13, window_bounds = array<i64: 1, 1>}, {transform_indices = @transform_14, window_bounds = array<i64: 2048>}]} {
    %get3A = arith.constant 0 : index
    %get3A_0 = arith.constant 0 : index
    %get3A_1 = vector.load %arg1[%get3A, %get3A_0] : memref<2048x128xf32, #tpu.memory_space<vmem>>, vector<2048x128xf32>
    %bitcast_convert_type3A = tpu.bitcast %get3A_1 : vector<2048x128xf32> -> vector<2048x128xi32>
    %get3A_2 = arith.constant 0 : index
    %get3A_3 = arith.constant 0 : index
    %get3A_4 = vector.load %arg2[%get3A_2, %get3A_3] : memref<2048x128xf32, #tpu.memory_space<vmem>>, vector<2048x128xf32>
    %bitcast_convert_type3A_5 = tpu.bitcast %get3A_4 : vector<2048x128xf32> -> vector<2048x128xi32>
    %shift_left3A = arith.constant 16 : i32
    %shift_left3A_6 = vector.broadcast %shift_left3A : i32 to vector<2048x128xi32>
    %shift_left3A_7 = arith.shli %bitcast_convert_type3A, %shift_left3A_6 : vector<2048x128xi32>
    %bitcast_convert_type3A_8 = tpu.bitcast %shift_left3A_7 : vector<2048x128xi32> -> vector<2048x128xf32>
    %and3A = arith.constant -65536 : i32
    %and3A_9 = vector.broadcast %and3A : i32 to vector<2048x128xi32>
    %and3A_10 = arith.andi %bitcast_convert_type3A_5, %and3A_9 : vector<2048x128xi32>
    %bitcast_convert_type3A_11 = tpu.bitcast %and3A_10 : vector<2048x128xi32> -> vector<2048x128xf32>
    %convert_element_type3A = arith.truncf %bitcast_convert_type3A_8 : vector<2048x128xf32> to vector<2048x128xbf16>
    %get3A_12 = arith.constant 0 : index
    %get3A_13 = arith.constant 0 : index
    %get3A_14 = vector.load %arg3[%get3A_12, %get3A_13] : memref<128x128xbf16, #tpu.memory_space<vmem>>, vector<128x128xbf16>
    %dot_general3A = arith.constant dense<0.000000e+00> : vector<2048x128xf32>
    %dot_general3A_15 = tpu.matmul %convert_element_type3A, %get3A_14, %dot_general3A {dimension_numbers = #tpu.dot_dimension_numbers<[1], [0], [0], [1], [0, 0, 1, 1], [], []>, transpose_lhs_hint = false} : vector<2048x128xbf16>, vector<128x128xbf16>, vector<2048x128xf32> -> vector<2048x128xf32>
    %convert_element_type3A_16 = arith.truncf %bitcast_convert_type3A_11 : vector<2048x128xf32> to vector<2048x128xbf16>
    %get3A_17 = arith.constant 0 : index
    %get3A_18 = arith.constant 0 : index
    %get3A_19 = vector.load %arg4[%get3A_17, %get3A_18] : memref<128x128xbf16, #tpu.memory_space<vmem>>, vector<128x128xbf16>
    %dot_general3A_20 = arith.constant dense<0.000000e+00> : vector<2048x128xf32>
    %dot_general3A_21 = tpu.matmul %convert_element_type3A_16, %get3A_19, %dot_general3A_20 {dimension_numbers = #tpu.dot_dimension_numbers<[1], [0], [0], [1], [0, 0, 1, 1], [], []>, transpose_lhs_hint = false} : vector<2048x128xbf16>, vector<128x128xbf16>, vector<2048x128xf32> -> vector<2048x128xf32>
    %add3A = arith.addf %dot_general3A_15, %dot_general3A_21 : vector<2048x128xf32>
    %get3A_22 = arith.constant 0 : index
    %get3A_23 = arith.constant 0 : index
    %get3A_24 = vector.load %arg5[%get3A_22, %get3A_23] : memref<1x128xf32, #tpu.memory_space<vmem>>, vector<1x128xf32>
    %add3A_25 = vector.broadcast %get3A_24 : vector<1x128xf32> to vector<2048x128xf32>
    %add3A_26 = arith.addf %add3A, %add3A_25 : vector<2048x128xf32>
    %max3A = arith.constant 0.000000e+00 : f32
    %max3A_27 = vector.broadcast %max3A : f32 to vector<2048x128xf32>
    %max3A_28 = arith.maximumf %add3A_26, %max3A_27 : vector<2048x128xf32>
    %get3A_29 = arith.constant 0 : index
    %get3A_30 = arith.constant 0 : index
    %get3A_31 = vector.load %arg6[%get3A_29, %get3A_30] : memref<64x128xf32, #tpu.memory_space<vmem>>, vector<64x128xf32>
    %dot_general3A_32 = arith.constant dense<0.000000e+00> : vector<2048x64xf32>
    %dot_general3A_33 = tpu.matmul %max3A_28, %get3A_31, %dot_general3A_32 {dimension_numbers = #tpu.dot_dimension_numbers<[1], [1], [0], [0], [0, 0, 1, 0], [], []>, transpose_lhs_hint = false} : vector<2048x128xf32>, vector<64x128xf32>, vector<2048x64xf32> -> vector<2048x64xf32>
    %get3A_34 = arith.constant 0 : index
    %get3A_35 = arith.constant 0 : index
    %get3A_36 = vector.load %arg7[%get3A_34, %get3A_35] : memref<1x64xf32, #tpu.memory_space<vmem>>, vector<1x64xf32>
    %add3A_37 = vector.broadcast %get3A_36 : vector<1x64xf32> to vector<2048x64xf32>
    %add3A_38 = arith.addf %dot_general3A_33, %add3A_37 : vector<2048x64xf32>
    %max3A_39 = arith.constant 0.000000e+00 : f32
    %max3A_40 = vector.broadcast %max3A_39 : f32 to vector<2048x64xf32>
    %max3A_41 = arith.maximumf %add3A_38, %max3A_40 : vector<2048x64xf32>
    %get3A_42 = arith.constant 0 : index
    %get3A_43 = arith.constant 0 : index
    %get3A_44 = vector.load %arg8[%get3A_42, %get3A_43] : memref<32x64xf32, #tpu.memory_space<vmem>>, vector<32x64xf32>
    %dot_general3A_45 = arith.constant dense<0.000000e+00> : vector<2048x32xf32>
    %dot_general3A_46 = tpu.matmul %max3A_41, %get3A_44, %dot_general3A_45 {dimension_numbers = #tpu.dot_dimension_numbers<[1], [1], [0], [0], [0, 0, 1, 0], [], []>, transpose_lhs_hint = false} : vector<2048x64xf32>, vector<32x64xf32>, vector<2048x32xf32> -> vector<2048x32xf32>
    %get3A_47 = arith.constant 0 : index
    %get3A_48 = arith.constant 0 : index
    %get3A_49 = vector.load %arg9[%get3A_47, %get3A_48] : memref<1x32xf32, #tpu.memory_space<vmem>>, vector<1x32xf32>
    %add3A_50 = vector.broadcast %get3A_49 : vector<1x32xf32> to vector<2048x32xf32>
    %add3A_51 = arith.addf %dot_general3A_46, %add3A_50 : vector<2048x32xf32>
    %max3A_52 = arith.constant 0.000000e+00 : f32
    %max3A_53 = vector.broadcast %max3A_52 : f32 to vector<2048x32xf32>
    %max3A_54 = arith.maximumf %add3A_51, %max3A_53 : vector<2048x32xf32>
    %get3A_55 = arith.constant 0 : index
    %get3A_56 = arith.constant 0 : index
    %get3A_57 = vector.load %arg10[%get3A_55, %get3A_56] : memref<16x32xf32, #tpu.memory_space<vmem>>, vector<16x32xf32>
    %dot_general3A_58 = arith.constant dense<0.000000e+00> : vector<2048x16xf32>
    %dot_general3A_59 = tpu.matmul %max3A_54, %get3A_57, %dot_general3A_58 {dimension_numbers = #tpu.dot_dimension_numbers<[1], [1], [0], [0], [0, 0, 1, 0], [], []>, transpose_lhs_hint = false} : vector<2048x32xf32>, vector<16x32xf32>, vector<2048x16xf32> -> vector<2048x16xf32>
    %get3A_60 = arith.constant 0 : index
    %get3A_61 = arith.constant 0 : index
    %get3A_62 = vector.load %arg11[%get3A_60, %get3A_61] : memref<1x16xf32, #tpu.memory_space<vmem>>, vector<1x16xf32>
    %add3A_63 = vector.broadcast %get3A_62 : vector<1x16xf32> to vector<2048x16xf32>
    %add3A_64 = arith.addf %dot_general3A_59, %add3A_63 : vector<2048x16xf32>
    %max3A_65 = arith.constant 0.000000e+00 : f32
    %max3A_66 = vector.broadcast %max3A_65 : f32 to vector<2048x16xf32>
    %max3A_67 = arith.maximumf %add3A_64, %max3A_66 : vector<2048x16xf32>
    %mul3A = arith.mulf %bitcast_convert_type3A_8, %bitcast_convert_type3A_11 : vector<2048x128xf32>
    %get3A_68 = arith.constant 0 : index
    %get3A_69 = arith.constant 0 : index
    %get3A_70 = vector.load %arg12[%get3A_68, %get3A_69] : memref<1x128xf32, #tpu.memory_space<vmem>>, vector<1x128xf32>
    %mul3A_71 = vector.broadcast %get3A_70 : vector<1x128xf32> to vector<2048x128xf32>
    %mul3A_72 = arith.mulf %mul3A, %mul3A_71 : vector<2048x128xf32>
    %reduce_sum3A = arith.constant dense<0.000000e+00> : vector<2048xf32>
    %reduce_sum3A_73 = vector.multi_reduction <add>, %mul3A_72, %reduce_sum3A [1] : vector<2048x128xf32> to vector<2048xf32>
    %get3A_74 = arith.constant 0 : index
    %get3A_75 = arith.constant 0 : index
    %get3A_76 = vector.load %arg13[%get3A_74, %get3A_75] : memref<1x16xf32, #tpu.memory_space<vmem>>, vector<1x16xf32>
    %mul3A_77 = vector.broadcast %get3A_76 : vector<1x16xf32> to vector<2048x16xf32>
    %mul3A_78 = arith.mulf %max3A_67, %mul3A_77 : vector<2048x16xf32>
    %reduce_sum3A_79 = arith.constant dense<0.000000e+00> : vector<2048xf32>
    %reduce_sum3A_80 = vector.multi_reduction <add>, %mul3A_78, %reduce_sum3A_79 [1] : vector<2048x16xf32> to vector<2048xf32>
    %add3A_81 = arith.addf %reduce_sum3A_73, %reduce_sum3A_80 : vector<2048xf32>
    %get3A_82 = arith.constant 0 : index
    %get3A_83 = arith.constant 0 : index
    %get3A_84 = vector.load %arg14[%get3A_82, %get3A_83] : memref<1x1xf32, #tpu.memory_space<vmem>>, vector<1x1xf32>
    %get3A_85 = vector.extract %get3A_84[0, 0] : f32 from vector<1x1xf32>
    %add3A_86 = vector.broadcast %get3A_85 : f32 to vector<2048xf32>
    %add3A_87 = arith.addf %add3A_81, %add3A_86 : vector<2048xf32>
    %logistic3A = arith.negf %add3A_87 : vector<2048xf32>
    %logistic3A_88 = math.exp %logistic3A : vector<2048xf32>
    %logistic3A_89 = arith.constant 1.000000e+00 : f32
    %logistic3A_90 = vector.broadcast %logistic3A_89 : f32 to vector<2048xf32>
    %logistic3A_91 = arith.addf %logistic3A_90, %logistic3A_88 : vector<2048xf32>
    %logistic3A_92 = arith.divf %logistic3A_90, %logistic3A_91 : vector<2048xf32>
    %swap3A = arith.constant 0 : index
    %swap3A_93 = vector.load %arg15[%swap3A] : memref<2048xf32, #tpu.memory_space<vmem>>, vector<2048xf32>
    tpu.vector_store %arg15[%swap3A], %logistic3A_92 {strides = array<i32>} : memref<2048xf32, #tpu.memory_space<vmem>>, vector<2048xf32>,
    return
  }
  func.func @transform_0(%arg0: i32) -> (i32, i32) {
    %c0_i32 = arith.constant 0 : i32
    %c0_i32_0 = arith.constant 0 : i32
    return %arg0, %c0_i32 : i32, i32
  }
  func.func @transform_1(%arg0: i32) -> (i32, i32) {
    %c0_i32 = arith.constant 0 : i32
    %c0_i32_0 = arith.constant 0 : i32
    return %arg0, %c0_i32 : i32, i32
  }
  func.func @transform_2(%arg0: i32) -> (i32, i32) {
    %c0_i32 = arith.constant 0 : i32
    %c0_i32_0 = arith.constant 0 : i32
    %c0_i32_1 = arith.constant 0 : i32
    return %c0_i32, %c0_i32_0 : i32, i32
  }
  func.func @transform_3(%arg0: i32) -> (i32, i32) {
    %c0_i32 = arith.constant 0 : i32
    %c0_i32_0 = arith.constant 0 : i32
    %c0_i32_1 = arith.constant 0 : i32
    return %c0_i32, %c0_i32_0 : i32, i32
  }
  func.func @transform_4(%arg0: i32) -> (i32, i32) {
    %c0_i32 = arith.constant 0 : i32
    %c0_i32_0 = arith.constant 0 : i32
    %c0_i32_1 = arith.constant 0 : i32
    return %c0_i32, %c0_i32_0 : i32, i32
  }
  func.func @transform_5(%arg0: i32) -> (i32, i32) {
    %c0_i32 = arith.constant 0 : i32
    %c0_i32_0 = arith.constant 0 : i32
    %c0_i32_1 = arith.constant 0 : i32
    return %c0_i32, %c0_i32_0 : i32, i32
  }
  func.func @transform_6(%arg0: i32) -> (i32, i32) {
    %c0_i32 = arith.constant 0 : i32
    %c0_i32_0 = arith.constant 0 : i32
    %c0_i32_1 = arith.constant 0 : i32
    return %c0_i32, %c0_i32_0 : i32, i32
  }
  func.func @transform_7(%arg0: i32) -> (i32, i32) {
    %c0_i32 = arith.constant 0 : i32
    %c0_i32_0 = arith.constant 0 : i32
    %c0_i32_1 = arith.constant 0 : i32
    return %c0_i32, %c0_i32_0 : i32, i32
  }
  func.func @transform_8(%arg0: i32) -> (i32, i32) {
    %c0_i32 = arith.constant 0 : i32
    %c0_i32_0 = arith.constant 0 : i32
    %c0_i32_1 = arith.constant 0 : i32
    return %c0_i32, %c0_i32_0 : i32, i32
  }
  func.func @transform_9(%arg0: i32) -> (i32, i32) {
    %c0_i32 = arith.constant 0 : i32
    %c0_i32_0 = arith.constant 0 : i32
    %c0_i32_1 = arith.constant 0 : i32
    return %c0_i32, %c0_i32_0 : i32, i32
  }
  func.func @transform_10(%arg0: i32) -> (i32, i32) {
    %c0_i32 = arith.constant 0 : i32
    %c0_i32_0 = arith.constant 0 : i32
    %c0_i32_1 = arith.constant 0 : i32
    return %c0_i32, %c0_i32_0 : i32, i32
  }
  func.func @transform_11(%arg0: i32) -> (i32, i32) {
    %c0_i32 = arith.constant 0 : i32
    %c0_i32_0 = arith.constant 0 : i32
    %c0_i32_1 = arith.constant 0 : i32
    return %c0_i32, %c0_i32_0 : i32, i32
  }
  func.func @transform_12(%arg0: i32) -> (i32, i32) {
    %c0_i32 = arith.constant 0 : i32
    %c0_i32_0 = arith.constant 0 : i32
    %c0_i32_1 = arith.constant 0 : i32
    return %c0_i32, %c0_i32_0 : i32, i32
  }
  func.func @transform_13(%arg0: i32) -> (i32, i32) {
    %c0_i32 = arith.constant 0 : i32
    %c0_i32_0 = arith.constant 0 : i32
    %c0_i32_1 = arith.constant 0 : i32
    return %c0_i32, %c0_i32_0 : i32, i32
  }
  func.func @transform_14(%arg0: i32) -> i32 {
    %c0_i32 = arith.constant 0 : i32
    return %arg0 : i32
  }
}

</mosaic_0001>

<sc_bundles>
// kernel: kernel.5.cloned.1.call-start
scs
__scs_entry_jumppad:
0x0: {  	(pc) =	sbr.rel $0x88, $3  }
0x1: {  	(tag) =	ssettag $0x0;
	lr =	simm.s32 $0x1  }
0x2: {  	[smem:$0x3F91] =	sst lr;
	_ =	strace $0xD0000000  }
0x3: {  	_ = 	snop  }
0x4: {  	_ = 	snop  }
0x5: {  	_ = 	snop  }
0x6: {  	_ = 	snop  }
0x7: {  	_ = 	snop  }
__scs_overlays_trampoline_lowered:
0x8: {  	[smem:$0x3FA0] =	sst s0  }
0x9: {  	[smem:$0x3FA1] =	sst s1  }
0xa: {  	[smem:$0x3FA2] =	sst s2  }
0xb: {  	[smem:$0x3FA3] =	sst s3  }
0xc: {  	[smem:$0x3FA4] =	sst s4  }
0xd: {  	[smem:$0x3FA5] =	sst s5  }
0xe: {  	[smem:$0x3FA6] =	sst s6  }
0xf: {  	[smem:$0x3FA7] =	sst s7  }
0x10: {  	[smem:$0x3FA8] =	sst s8  }
0x11: {  	[smem:$0x3FA9] =	sst s9;
	s0 =	simm.s32 @!p0 $0x0  }
0x12: {  	s1 =	sld [smem:$0x3F8F];
	s0 =	simm.s32 @p0 $0x1  }
0x13: {  	[smem:$0x3FAA] =	sst s0;
	s0 =	simm.s32 @!p1 $0x0  }
0x14: {  	s2 =	sld [smem:$0x3F8E];
	s0 =	simm.s32 @p1 $0x1  }
0x15: {  	[smem:$0x3FAB] =	sst s0;
	s0 =	simm.s32 @!p2 $0x0  }
0x16: {  	s3 =	sld [smem:$0x3FDB];
	s0 =	simm.s32 @p2 $0x1  }
0x17: {  	s4 =	simm.s32 $0x1BF5;
	[smem:$0x3FAD] =	sst s0  }
0x18: {  	s0 =	sld [smem:$0x3F90];
	_ =	swait.ge [sflag:s4], $0x0  }
0x19: {  	s7 =	sld [smem:$0x3F91]  }
0x1a: {  	s8 =	sadd.s32 $0xFFFFE003, lr  }
0x1b: {  	s9 =	sadd.s32 $0xFFFFFEF7, lr;
	s5 =	simm.s32 $0xFFFFFFFF;
	p2 =	slt.u32 s8, $0xFFFFF086  }
0x1c: {  	p1 =	slt.u32 s9, $0xF7A;
	s5 =	simm.s32 @!p2 $0x0  }
0x1d: {  	s5 =	simm.s32 @p1 $0x1;
	p0 =	seq.s32 s7, s2  }
0x1e: {  	s7 =	smul.u32 @!p0 $0xF7A, s2;
	p2 =	seq.s32 @!p0 s5, $0x0  }
0x1f: {  	s9 =	smul.u32 $0xF7A, s1;
	s8 =	simm.s32 @!p0 $0x1BF5;
	p2 =	por !p2, p0  }
0x20: {  	[sflag:s8] =	ssyncset.s32 @!p0 $0xFFFFF086;
	s6 =	sadd.s32 @!p0 s3, s7;
	s7 =	simm.s32 @!p0 $0x108  }
0x21: {  	s3 =	sadd.s32 s3, s9;
	s6 =	sadd.s32 @!p0 $0x88, s6;
	s7 =	simm.s32 @p2 $0x1082  }
0x22: {  	[simem:s7], [sflag:s8] =	dma.local @!p0 [hbm:s6], $0xF7A  }
0x23: {  	s9 =	sor.u32 $0xD0000000, s2;
	s6 =	simm.s32 $0x108;
	_ =	swait.ge @!p0 [sflag:s8], $0x0  }
0x24: {  	s3 =	sadd.s32 $0x88, s3;
	s6 =	simm.s32 @!p1 $0x1082;
	[sflag:s4] =	ssyncset.s32 $0xFFFFF086  }
0x25: {  	[simem:s6], [sflag:s4] =	dma.local [hbm:s3], $0xF7A  }
0x26: {  	[smem:$0x3F91] =	sst s1;
	(tag) =	ssettag s2;
	_ =	strace s9  }
0x27: {  	s1 =	sld [smem:$0x3FA1]  }
0x28: {  	s2 =	sld [smem:$0x3FA2]  }
0x29: {  	s4 =	sld [smem:$0x3FA4]  }
0x2a: {  	p0 =	seq.s32 s5, $0x0;
	s5 =	sld [smem:$0x3FA5]  }
0x2b: {  	s6 =	sld [smem:$0x3FA6]  }
0x2c: {  	s7 =	sld [smem:$0x3FA7]  }
0x2d: {  	s3 =	simm.s32 $0x108;
	s8 =	sld [smem:$0x3FA8]  }
0x2e: {  	s3 =	simm.s32 @!p0 $0x1082;
	s9 =	sld [smem:$0x3FA9]  }
0x2f: {  	lr =	sadd.s32 s0, s3;
	s0 =	sld [smem:$0x3FA0]  }
0x30: {  	s3 =	sld [smem:$0x3FA3]  }
0x31: {  	[smem:$0x3FAC] =	sst s10  }
0x32: {  	s10 =	sld [smem:$0x3FAA];
	_ =	sdelay $0x3  }
0x33: {  	p0 =	seq.s32 s10, $0x1;
	s10 =	sld [smem:$0x3FAC];
	_ =	sdelay $0x3  }
0x34: {  	[smem:$0x3FAC] =	sst s10  }
0x35: {  	s10 =	sld [smem:$0x3FAB];
	_ =	sdelay $0x3  }
0x36: {  	p1 =	seq.s32 s10, $0x1;
	s10 =	sld [smem:$0x3FAC];
	_ =	sdelay $0x3  }
0x37: {  	[smem:$0x3FAC] =	sst s10  }
0x38: {  	s10 =	sld [smem:$0x3FAD]  }
0x39: {  	_ = 	snop;
	(pc) =	sbr.ind lr, $3  }
0x3a: {  	_ = 	snop  }
0x3b: {  	_ = 	snop  }
0x3c: {  	p2 =	seq.s32 s10, $0x1;
	s10 =	sld [smem:$0x3FAC]  }
0x3d: {  	_ =	shalt  }
0x3e: {  	_ =	shalt  }
0x3f: {  	_ =	shalt  }
0x40: {  	_ =	shalt  }
0x41: {  	_ =	shalt  }
0x42: {  	_ =	shalt  }
0x43: {  	_ =	shalt  }
0x44: {  	_ =	shalt  }
0x45: {  	_ =	shalt  }
0x46: {  	_ =	shalt  }
0x47: {  	_ =	shalt  }
0x48: {  	_ =	shalt  }
0x49: {  	_ =	shalt  }
0x4a: {  	_ =	shalt  }
0x4b: {  	_ =	shalt  }
0x4c: {  	_ =	shalt  }
0x4d: {  	_ =	shalt  }
0x4e: {  	_ =	shalt  }
0x4f: {  	_ =	shalt  }
0x50: {  	_ =	shalt  }
0x51: {  	_ =	shalt  }
0x52: {  	_ =	shalt  }
0x53: {  	_ =	shalt  }
0x54: {  	_ =	shalt  }
0x55: {  	_ =	shalt  }
0x56: {  	_ =	shalt  }
0x57: {  	_ =	shalt  }
0x58: {  	_ =	shalt  }
0x59: {  	_ =	shalt  }
0x5a: {  	_ =	shalt  }
0x5b: {  	_ =	shalt  }
0x5c: {  	_ =	shalt  }
0x5d: {  	_ =	shalt  }
0x5e: {  	_ =	shalt  }
0x5f: {  	_ =	shalt  }
0x60: {  	_ =	shalt  }
0x61: {  	_ =	shalt  }
0x62: {  	_ =	shalt  }
0x63: {  	_ =	shalt  }
0x64: {  	_ =	shalt  }
0x65: {  	_ =	shalt  }
0x66: {  	_ =	shalt  }
0x67: {  	_ =	shalt  }
0x68: {  	_ =	shalt  }
0x69: {  	_ =	shalt  }
0x6a: {  	_ =	shalt  }
0x6b: {  	_ =	shalt  }
0x6c: {  	_ =	shalt  }
0x6d: {  	_ =	shalt  }
0x6e: {  	_ =	shalt  }
0x6f: {  	_ =	shalt  }
0x70: {  	_ =	shalt  }
0x71: {  	_ =	shalt  }
0x72: {  	_ =	shalt  }
0x73: {  	_ =	shalt  }
0x74: {  	_ =	shalt  }
0x75: {  	_ =	shalt  }
0x76: {  	_ =	shalt  }
0x77: {  	_ =	shalt  }
0x78: {  	_ =	shalt  }
0x79: {  	_ =	shalt  }
0x7a: {  	_ =	shalt  }
0x7b: {  	_ =	shalt  }
0x7c: {  	_ =	shalt  }
0x7d: {  	_ =	shalt  }
0x7e: {  	_ =	shalt  }
0x7f: {  	_ =	shalt  }
0x80: {  	_ =	shalt  }
0x81: {  	_ =	shalt  }
0x82: {  	_ =	shalt  }
0x83: {  	_ =	shalt  }
0x84: {  	_ =	shalt  }
0x85: {  	_ =	shalt  }
0x86: {  	_ =	shalt  }
0x87: {  	_ =	shalt  }
.Lfunc_end0:
.L_simem_size_0:
called_computation_lowered:
.L_overlay_start_0:
0x88: {  	s2 =	sld [smem:$0x3FD9]  }
0x89: {  	s3 =	sld [smem:$0x3FFE];
	_ =	sdelay $0x1  }
0x8a: {  	s1 =	srdreg.scid  }
0x8b: {  	s0 =	sand.u32 $0x1, s1  }
0x8c: {  	s17 =	sshll.u32 s0, $0xA;
	s2 =	sadd.s32 s3, s2  }
0x8d: {  	s2 =	sadd.s32 s2, s17  }
0x8e: {  	[smem:$0x3FB8] =	sst s2  }
0x8f: {  	_ = 	snop  }
0x90: {  	s2 =	sld [smem:$0x3FC9]  }
0x91: {  	s18 =	sld [smem:$0x3FC8];
	(tm) =	ssettm $0x1  }
0x92: {  	s4 =	sld [smem:$0x3FFB];
	_ =	sdelay $0x3  }
0x93: {  	_ =	strace s4  }
0x94: {  	s4 =	sld [smem:$0x3FFC];
	_ =	sdelay $0x3  }
0x95: {  	_ =	strace s4  }
0x96: {  	s4 =	sld [smem:$0x3FFD];
	_ =	sdelay $0x3  }
0x97: {  	_ =	strace s4  }
0x98: {  	_ =	strace $0x8FFFFFFF  }
0x99: {  	s19 =	sld [smem:$0x3FDB];
	_ =	sdelay $0x1  }
0x9a: {  	s5 =	simm.s32 $_scs_section_size  }
0x9b: {  	s6 =	simm.s32 $_size__tile_overlayer_lowered;
	s7 =	simm.s32 $_tile_overlayer_lowered  }
0x9c: {  	s22 =	simm.s32 $0x1BFF;
	s21 =	sshll.u32 s7, $0x1;
	s4 =	sadd.s32 s5, s19  }
0x9d: {  	s8 =	simm.s32 $0x0;
	s20 =	sshll.u32 s6, $0x1;
	s6 =	sadd.s32 s21, s4  }
0x9e: {  	[timem:s8], [sflag:s22] =	dma.local [hbm:s6], s20  }
0x9f: {  	_ =	swait.ge [sflag:s22], s20  }
0xa0: {  	s5 =	ssub.s32 $0x0, s20;
	[sflag:s22] =	ssyncset.done $0x0  }
0xa1: {  	[sflag:s22] =	ssyncadd.s32 s5;
	_ =	sdelay $0x1  }
0xa2: {  	s23 =	simm.s32 $0x1B8B  }
0xa3: {  	_ =	swait.ge [sflag:s23], $0x1  }
0xa4: {  	[sflag:s23] =	ssyncset.done $0x0  }
0xa5: {  	s25 =	simm.s32 $0x1B8E;
	s24 =	sld [smem:$0x3FFE];
	[sflag:s23] =	ssyncadd.s32 $0xFFFFFFFF  }
0xa6: {  	s26 =	simm.s32 $execute0_lowered;
	[smem:$0x3FD2] =	sst s25  }
0xa7: {  	s6 =	sshll.u32 s26, $0x1;
	_ =	strace $0x80000046;
	[dreg:$0x1] =	wrdreg $0xFFFFFFFF  }
0xa8: {  	s28 =	simm.s32 $_size_execute0_lowered;
	s4 =	sadd.s32 s4, s6;
	[dreg:$0x0] =	wrdreg $0x0  }
0xa9: {  	s6 =	sshll.u32 s28, $0x1;
	[dreg:$0x2] =	wrdreg s4  }
0xaa: {  	[dreg:$0x3] =	wrdreg s6  }
0xab: {  	[dreg:$0x4] =	wrdreg $0xC0  }
0xac: {  	_ =	task [dreg:s8], $0x5FFFF  }
0xad: {  	[dreg:$0x1] =	wrdreg $0xFFFFFFFF  }
0xae: {  	[dreg:$0x0] =	wrdreg $0x60  }
0xaf: {  	[dreg:$0x2] =	wrdreg s2  }
0xb0: {  	[dreg:$0x3] =	wrdreg s18  }
0xb1: {  	[dreg:$0x4] =	wrdreg s24  }
0xb2: {  	[dreg:$0x5] =	wrdreg $0x9  }
0xb3: {  	_ =	task.clear_ibuf [dreg:s8], $0x6FFFF;
	_ =	strace $0x90000046  }
0xb4: {  	s29 =	simm.s32 $0x9;
	_ =	strace $0x80000048  }
0xb5: {  	_ =	swait.ge [sflag:s29], $0x1  }
0xb6: {  	[sflag:s29] =	ssyncadd.s32 $0xFFFFFFFF  }
0xb7: {  	_ =	strace $0x90000048  }
0xb8: {  	_ =	sfence  }
0xb9: {  	s30 =	sld [smem:$0x0];
	_ =	sdelay $0x2  }
0xba: {  	s31 =	sshll.u32 s1, $0xD;
	s1 =	sshrl.u32 s1, $0x2  }
0xbb: {  	s3 =	sand.u32 $0x4000, s31;
	s1 =	sadd.s32 s1, s30  }
0xbc: {  	s0 =	sor.u32 s3, s0;
	s1 =	sshll.u32 s1, $0x11  }
0xbd: {  	s0 =	sor.u32 s1, s0  }
0xbe: {  	s0 =	sadd.s32 $0x8F2B, s0  }
0xbf: {  	[sflag:s0] =	ssyncadd.remote.s32 $0x1  }
0xc0: {  	_ =	sfence.sel $0xFFFF  }
0xc1: {  	[dreg:$0x0] =	wrdreg $0xFFFFFFFF;
	(pc) =	sbr.abs _section_cstart, $3  }
0xc2: {  	[dreg:$0x1] =	wrdreg $0xFFFFFFFF  }
0xc3: {  	_ =	task.clear_ibuf [dreg:s8], $0x2FFFF;
	_ =	strace $0x9FFFFFFF  }
0xc4: {  	(tm) =	ssettm $0x7FFFFFFF  }
0xc5: {  	_ =	shalt  }
tec
execute0_lowered:
.L_overlay_start_1:
0x0: {  	(tag) =	ssettag $0x1  }
0x1: {  	s1 =	srdreg.scid  }
0x2: {  	s3 =	rddreg [dreg:$0x0];
	s0 =	stileid.u32;
	s1 =	sand.u32 $0x1, s1  }
0x3: {  	s4 =	rddreg [dreg:$0x1];
	s5 =	sshll.u32 s0, $0xA;
	s6 =	sshll.u32 s1, $0x9  }
0x4: {  	s16 =	rddreg [dreg:$0x2];
	s2 =	simm.s32 $0x0;
	s5 =	sor.u32 s6, s5  }
0x5: {  	[smem:$0x7FF] =	sst s2;
	s6 =	sshrl.u32 s5, $0x3  }
0x6: {  	s30 =	sadd.s32 $0x188C00, s16;
	_ =	strace $0x80000047;
	s3 =	sadd.s32 s3, s6  }
0x7: {  	s31 =	sshll.u32 s5, $0x4;
	s23 =	sadd.s32 s4, s6;
	[dreg:$0x4] =	wrdreg s3  }
0x8: {  	s25 =	sadd.s32 s30, s31;
	[dreg:$0x5] =	wrdreg s23  }
0x9: {  	[dreg:$0x6] =	wrdreg s25  }
0xa: {  	s3 =	simm.s32 $0x9;
	s24 =	rddreg [dreg:$0x4]  }
0xb: {  	[tilespmem:s2], [sflag:$0x9] =	stream.linear.gather [hbm4b:s24+s2], $0x200, $0x38;
	[tilespmem:$0x10400] =	vst v63  }
0xc: {  	_ =	swait.ge [sflag:s3], $0x200  }
0xd: {  	[sflag:s3] =	ssyncset.done $0x0  }
0xe: {  	s4 =	simm.s32 $0x200;
	s26 =	rddreg [dreg:$0x5];
	[sflag:s3] =	ssyncadd.s32 $0xFFFFFE00  }
0xf: {  	[tilespmem:s4], [sflag:$0x9] =	stream.linear.gather [hbm4b:s26+s2], $0x200, $0x38;
	[tilespmem:$0x10400] =	vst v63  }
0x10: {  	_ =	swait.ge [sflag:s3], $0x200  }
0x11: {  	s7 =	simm.s32 $0x400;
	[sflag:s3] =	ssyncset.done $0x0  }
0x12: {  	s5 =	sadd.s32 $0x2200, s16;
	s6 =	simm.s32 $0x80;
	[sflag:s3] =	ssyncadd.s32 $0xFFFFFE00  }
0x13: {  	[tilespmem:s7], [sflag:$0x1] =	stream.indirect.gather [hbm4b:s5+s6], $0x80, s2, s6, $0xb8;
	[tilespmem:$0x10400] =	vst v63  }
0x14: {  	s8 =	simm.s32 $0x4400  }
0x15: {  	[tilespmem:s8], [sflag:$0x2] =	stream.indirect.gather [hbm4b:s5+s6], $0x80, s4, s6, $0xb8;
	[tilespmem:$0x10400] =	vst v63  }
0x16: {  	s9 =	simm.s32 $0x8400  }
0x17: {  	[tilespmem:s9], [sflag:$0x3] =	stream.indirect.gather [hbm4b:s5+s6], $0x80, s6, s6, $0xb8;
	[tilespmem:$0x10400] =	vst v63  }
0x18: {  	s10 =	simm.s32 $0x280;
	s11 =	simm.s32 $0xC400;
	s12 =	simm.s32 $0x1  }
0x19: {  	[tilespmem:s11], [sflag:$0x4] =	stream.indirect.gather [hbm4b:s5+s6], $0x80, s10, s6, $0xb8;
	[tilespmem:$0x10400] =	vst v63  }
0x1a: {  	_ =	swait.ge [sflag:s12], $0x4000  }
0x1b: {  	[sflag:s12] =	ssyncset.done $0x0  }
0x1c: {  	s13 =	simm.s32 $0x5;
	s14 =	rddreg [dreg:$0x6];
	[sflag:s12] =	ssyncadd.s32 $0xFFFFC000  }
0x1d: {  	[hbm4b:s14+s2] =	stream.linear.scatter [tilespmem:s7], [sflag:$0x5], $0x4000, $0x38;
	[tilespmem:$0x10400] =	vst v63  }
0x1e: {  	_ =	swait.ge [sflag:s13], $0x4000  }
0x1f: {  	[sflag:s13] =	ssyncset.done $0x0  }
0x20: {  	s15 =	simm.s32 $0x2;
	s14 =	simm.s32 $0x100;
	[sflag:s13] =	ssyncadd.s32 $0xFFFFC000  }
0x21: {  	[tilespmem:s7], [sflag:$0x1] =	stream.indirect.gather [hbm4b:s5+s6], $0x80, s14, s6, $0xb8;
	[tilespmem:$0x10400] =	vst v63  }
0x22: {  	_ =	swait.ge [sflag:s15], $0x4000  }
0x23: {  	s0 =	sadd.s32 $0x1C8C00, s16;
	[sflag:s15] =	ssyncset.done $0x0  }
0x24: {  	s17 =	simm.s32 $0x6;
	s16 =	sadd.s32 s0, s31;
	[sflag:s15] =	ssyncadd.s32 $0xFFFFC000  }
0x25: {  	[hbm4b:s16+s2] =	stream.linear.scatter [tilespmem:s8], [sflag:$0x6], $0x4000, $0x38;
	[tilespmem:$0x10400] =	vst v63  }
0x26: {  	_ =	swait.ge [sflag:s17], $0x4000  }
0x27: {  	[sflag:s17] =	ssyncset.done $0x0  }
0x28: {  	s18 =	simm.s32 $0x300;
	s19 =	simm.s32 $0x3;
	[sflag:s17] =	ssyncadd.s32 $0xFFFFC000  }
0x29: {  	[tilespmem:s8], [sflag:$0x2] =	stream.indirect.gather [hbm4b:s5+s6], $0x80, s18, s6, $0xb8;
	[tilespmem:$0x10400] =	vst v63  }
0x2a: {  	_ =	swait.ge [sflag:s19], $0x4000  }
0x2b: {  	s24 =	sor.u32 $0x800, s31;
	[sflag:s19] =	ssyncset.done $0x0  }
0x2c: {  	s21 =	simm.s32 $0x7;
	s20 =	sadd.s32 s30, s24;
	[sflag:s19] =	ssyncadd.s32 $0xFFFFC000  }
0x2d: {  	[hbm4b:s20+s2] =	stream.linear.scatter [tilespmem:s9], [sflag:$0x7], $0x4000, $0x38;
	[tilespmem:$0x10400] =	vst v63  }
0x2e: {  	_ =	swait.ge [sflag:s21], $0x4000  }
0x2f: {  	[sflag:s21] =	ssyncset.done $0x0  }
0x30: {  	s22 =	simm.s32 $0x180;
	s23 =	simm.s32 $0x4;
	[sflag:s21] =	ssyncadd.s32 $0xFFFFC000  }
0x31: {  	[tilespmem:s9], [sflag:$0x3] =	stream.indirect.gather [hbm4b:s5+s6], $0x80, s22, s6, $0xb8;
	[tilespmem:$0x10400] =	vst v63  }
0x32: {  	_ =	swait.ge [sflag:s23], $0x4000  }
0x33: {  	[sflag:s23] =	ssyncset.done $0x0  }
0x34: {  	s25 =	simm.s32 $0x8;
	s24 =	sadd.s32 s0, s24;
	[sflag:s23] =	ssyncadd.s32 $0xFFFFC000  }
0x35: {  	[hbm4b:s24+s2] =	stream.linear.scatter [tilespmem:s11], [sflag:$0x8], $0x4000, $0x38;
	[tilespmem:$0x10400] =	vst v63  }
0x36: {  	_ =	swait.ge [sflag:s25], $0x4000  }
0x37: {  	[sflag:s25] =	ssyncset.done $0x0  }
0x38: {  	s26 =	simm.s32 $0x380;
	[sflag:s25] =	ssyncadd.s32 $0xFFFFC000  }
0x39: {  	[tilespmem:s11], [sflag:$0x4] =	stream.indirect.gather [hbm4b:s5+s6], $0x80, s26, s6, $0xb8;
	[tilespmem:$0x10400] =	vst v63  }
0x3a: {  	_ =	swait.ge [sflag:s12], $0x4000  }
0x3b: {  	s29 =	sor.u32 $0x1000, s31;
	[sflag:s12] =	ssyncset.done $0x0  }
0x3c: {  	s28 =	sadd.s32 s30, s29;
	[sflag:s12] =	ssyncadd.s32 $0xFFFFC000  }
0x3d: {  	[hbm4b:s28+s2] =	stream.linear.scatter [tilespmem:s7], [sflag:$0x5], $0x4000, $0x38;
	[tilespmem:$0x10400] =	vst v63  }
0x3e: {  	_ =	swait.ge [sflag:s15], $0x4000  }
0x3f: {  	[sflag:s15] =	ssyncset.done $0x0  }
0x40: {  	s29 =	sadd.s32 s0, s29;
	[sflag:s15] =	ssyncadd.s32 $0xFFFFC000  }
0x41: {  	[hbm4b:s29+s2] =	stream.linear.scatter [tilespmem:s8], [sflag:$0x6], $0x4000, $0x38;
	[tilespmem:$0x10400] =	vst v63  }
0x42: {  	_ =	swait.ge [sflag:s19], $0x4000  }
0x43: {  	s31 =	sor.u32 $0x1800, s31;
	[sflag:s19] =	ssyncset.done $0x0  }
0x44: {  	s30 =	sadd.s32 s30, s31;
	[sflag:s19] =	ssyncadd.s32 $0xFFFFC000  }
0x45: {  	[hbm4b:s30+s2] =	stream.linear.scatter [tilespmem:s9], [sflag:$0x7], $0x4000, $0x38;
	[tilespmem:$0x10400] =	vst v63  }
0x46: {  	_ =	swait.ge [sflag:s23], $0x4000  }
0x47: {  	[sflag:s23] =	ssyncset.done $0x0  }
0x48: {  	s31 =	sadd.s32 s0, s31;
	[sflag:s23] =	ssyncadd.s32 $0xFFFFC000  }
0x49: {  	[hbm4b:s31+s2] =	stream.linear.scatter [tilespmem:s11], [sflag:$0x8], $0x4000, $0x38;
	[tilespmem:$0x10400] =	vst v63  }
0x4a: {  	s0 =	ssub.s32 $0x2, s1;
	_ =	swait.ge [sflag:s13], $0x4000  }
0x4b: {  	s1 =	sshrl.u32 s0, $0x1;
	[sflag:s13] =	ssyncset.done $0x0  }
0x4c: {  	s0 =	ssub.s32 s0, s1;
	[sflag:s13] =	ssyncadd.s32 $0xFFFFC000  }
0x4d: {  	s0 =	smax.u32 s0, $0x1;
	_ =	swait.ge [sflag:s17], $0x4000  }
0x4e: {  	p0 =	sne.s32 s0, $0x1;
	[sflag:s17] =	ssyncset.done $0x0  }
.Ltmp0:
0x4f: {  	[sflag:s17] =	ssyncadd.s32 $0xFFFFC000;
	(pc) =	sbr.rel @!p0 .LBB2_2-.Ltmp0, $4  }
0x50: {  	_ =	swait.ge [sflag:s21], $0x4000  }
0x51: {  	[sflag:s21] =	ssyncset.done $0x0  }
0x52: {  	[sflag:s21] =	ssyncadd.s32 $0xFFFFC000  }
0x53: {  	s1 =	sadd.s32 $0xFFFFFFFF, s0;
	_ =	swait.ge [sflag:s25], $0x4000  }
.LBB2_1:
0x54: {  	[sflag:s25] =	ssyncset.done $0x0  }
0x55: {  	s0 =	rddreg [dreg:$0x4];
	[sflag:s25] =	ssyncadd.s32 $0xFFFFC000  }
0x56: {  	[tilespmem:s2], [sflag:$0x9] =	stream.linear.gather [hbm4b:s0+s2], $0x200, $0x38;
	[tilespmem:$0x10400] =	vst v63  }
0x57: {  	_ =	swait.ge [sflag:s3], $0x200  }
0x58: {  	[sflag:s3] =	ssyncset.done $0x0  }
0x59: {  	s0 =	rddreg [dreg:$0x5];
	[sflag:s3] =	ssyncadd.s32 $0xFFFFFE00  }
0x5a: {  	[tilespmem:s4], [sflag:$0x9] =	stream.linear.gather [hbm4b:s0+s2], $0x200, $0x38;
	[tilespmem:$0x10400] =	vst v63  }
0x5b: {  	_ =	swait.ge [sflag:s3], $0x200  }
0x5c: {  	[sflag:s3] =	ssyncset.done $0x0  }
0x5d: {  	[sflag:s3] =	ssyncadd.s32 $0xFFFFFE00  }
0x5e: {  	[tilespmem:s7], [sflag:$0x1] =	stream.indirect.gather [hbm4b:s5+s6], $0x80, s2, s6, $0xb8;
	[tilespmem:$0x10400] =	vst v63  }
0x5f: {  	_ = 	snop  }
0x60: {  	[tilespmem:s8], [sflag:$0x2] =	stream.indirect.gather [hbm4b:s5+s6], $0x80, s4, s6, $0xb8;
	[tilespmem:$0x10400] =	vst v63  }
0x61: {  	_ = 	snop  }
0x62: {  	[tilespmem:s9], [sflag:$0x3] =	stream.indirect.gather [hbm4b:s5+s6], $0x80, s6, s6, $0xb8;
	[tilespmem:$0x10400] =	vst v63  }
0x63: {  	_ = 	snop  }
0x64: {  	[tilespmem:s11], [sflag:$0x4] =	stream.indirect.gather [hbm4b:s5+s6], $0x80, s10, s6, $0xb8;
	[tilespmem:$0x10400] =	vst v63  }
0x65: {  	_ =	swait.ge [sflag:s12], $0x4000  }
0x66: {  	[sflag:s12] =	ssyncset.done $0x0  }
0x67: {  	s0 =	rddreg [dreg:$0x6];
	[sflag:s12] =	ssyncadd.s32 $0xFFFFC000  }
0x68: {  	[hbm4b:s0+s2] =	stream.linear.scatter [tilespmem:s7], [sflag:$0x5], $0x4000, $0x38;
	[tilespmem:$0x10400] =	vst v63  }
0x69: {  	_ =	swait.ge [sflag:s13], $0x4000  }
0x6a: {  	[sflag:s13] =	ssyncset.done $0x0  }
0x6b: {  	[sflag:s13] =	ssyncadd.s32 $0xFFFFC000  }
0x6c: {  	[tilespmem:s7], [sflag:$0x1] =	stream.indirect.gather [hbm4b:s5+s6], $0x80, s14, s6, $0xb8;
	[tilespmem:$0x10400] =	vst v63  }
0x6d: {  	_ =	swait.ge [sflag:s15], $0x4000  }
0x6e: {  	[sflag:s15] =	ssyncset.done $0x0  }
0x6f: {  	[sflag:s15] =	ssyncadd.s32 $0xFFFFC000  }
0x70: {  	[hbm4b:s16+s2] =	stream.linear.scatter [tilespmem:s8], [sflag:$0x6], $0x4000, $0x38;
	[tilespmem:$0x10400] =	vst v63  }
0x71: {  	_ =	swait.ge [sflag:s17], $0x4000  }
0x72: {  	[sflag:s17] =	ssyncset.done $0x0  }
0x73: {  	[sflag:s17] =	ssyncadd.s32 $0xFFFFC000  }
0x74: {  	[tilespmem:s8], [sflag:$0x2] =	stream.indirect.gather [hbm4b:s5+s6], $0x80, s18, s6, $0xb8;
	[tilespmem:$0x10400] =	vst v63  }
0x75: {  	_ =	swait.ge [sflag:s19], $0x4000  }
0x76: {  	[sflag:s19] =	ssyncset.done $0x0  }
0x77: {  	[sflag:s19] =	ssyncadd.s32 $0xFFFFC000  }
0x78: {  	[hbm4b:s20+s2] =	stream.linear.scatter [tilespmem:s9], [sflag:$0x7], $0x4000, $0x38;
	[tilespmem:$0x10400] =	vst v63  }
0x79: {  	_ =	swait.ge [sflag:s21], $0x4000  }
0x7a: {  	[sflag:s21] =	ssyncset.done $0x0  }
0x7b: {  	[sflag:s21] =	ssyncadd.s32 $0xFFFFC000  }
0x7c: {  	[tilespmem:s9], [sflag:$0x3] =	stream.indirect.gather [hbm4b:s5+s6], $0x80, s22, s6, $0xb8;
	[tilespmem:$0x10400] =	vst v63  }
0x7d: {  	_ =	swait.ge [sflag:s23], $0x4000  }
0x7e: {  	[sflag:s23] =	ssyncset.done $0x0  }
0x7f: {  	[sflag:s23] =	ssyncadd.s32 $0xFFFFC000  }
0x80: {  	[hbm4b:s24+s2] =	stream.linear.scatter [tilespmem:s11], [sflag:$0x8], $0x4000, $0x38;
	[tilespmem:$0x10400] =	vst v63  }
0x81: {  	_ =	swait.ge [sflag:s25], $0x4000  }
0x82: {  	[sflag:s25] =	ssyncset.done $0x0  }
0x83: {  	[sflag:s25] =	ssyncadd.s32 $0xFFFFC000  }
0x84: {  	[tilespmem:s11], [sflag:$0x4] =	stream.indirect.gather [hbm4b:s5+s6], $0x80, s26, s6, $0xb8;
	[tilespmem:$0x10400] =	vst v63  }
0x85: {  	_ =	swait.ge [sflag:s12], $0x4000  }
0x86: {  	[sflag:s12] =	ssyncset.done $0x0  }
0x87: {  	[sflag:s12] =	ssyncadd.s32 $0xFFFFC000  }
0x88: {  	[hbm4b:s28+s2] =	stream.linear.scatter [tilespmem:s7], [sflag:$0x5], $0x4000, $0x38;
	[tilespmem:$0x10400] =	vst v63  }
0x89: {  	_ =	swait.ge [sflag:s15], $0x4000  }
0x8a: {  	[sflag:s15] =	ssyncset.done $0x0  }
0x8b: {  	[sflag:s15] =	ssyncadd.s32 $0xFFFFC000  }
0x8c: {  	[hbm4b:s29+s2] =	stream.linear.scatter [tilespmem:s8], [sflag:$0x6], $0x4000, $0x38;
	[tilespmem:$0x10400] =	vst v63  }
0x8d: {  	_ =	swait.ge [sflag:s19], $0x4000  }
0x8e: {  	[sflag:s19] =	ssyncset.done $0x0  }
0x8f: {  	[sflag:s19] =	ssyncadd.s32 $0xFFFFC000  }
0x90: {  	[hbm4b:s30+s2] =	stream.linear.scatter [tilespmem:s9], [sflag:$0x7], $0x4000, $0x38;
	[tilespmem:$0x10400] =	vst v63  }
0x91: {  	_ =	swait.ge [sflag:s23], $0x4000  }
0x92: {  	[sflag:s23] =	ssyncset.done $0x0  }
0x93: {  	[sflag:s23] =	ssyncadd.s32 $0xFFFFC000  }
0x94: {  	[hbm4b:s31+s2] =	stream.linear.scatter [tilespmem:s11], [sflag:$0x8], $0x4000, $0x38;
	[tilespmem:$0x10400] =	vst v63  }
0x95: {  	_ =	swait.ge [sflag:s13], $0x4000  }
0x96: {  	[sflag:s13] =	ssyncset.done $0x0  }
0x97: {  	[sflag:s13] =	ssyncadd.s32 $0xFFFFC000  }
0x98: {  	_ =	swait.ge [sflag:s17], $0x4000  }
0x99: {  	p0 =	sne.s32 s1, $0x1;
	[sflag:s17] =	ssyncset.done $0x0  }
.Ltmp1:
0x9a: {  	[sflag:s17] =	ssyncadd.s32 $0xFFFFC000;
	(pc) =	sbr.rel @p0 .LBB2_1-.Ltmp1, $4  }
0x9b: {  	_ =	swait.ge [sflag:s21], $0x4000  }
0x9c: {  	[sflag:s21] =	ssyncset.done $0x0  }
0x9d: {  	[sflag:s21] =	ssyncadd.s32 $0xFFFFC000  }
0x9e: {  	s1 =	sadd.s32 $0xFFFFFFFF, s1;
	_ =	swait.ge [sflag:s25], $0x4000  }
.LBB2_2:
0x9f: {  	[sflag:s25] =	ssyncset.done $0x0  }
0xa0: {  	[sflag:s25] =	ssyncadd.s32 $0xFFFFC000  }
0xa1: {  	_ =	sfence.sel $0x180000  }
0xa2: {  	[bflag:$0x0] =	sbarrier.arrive $0xFFFF  }
0xa3: {  	_ =	strace $0x90000047  }
0xa4: {  	s0 =	stileid.u32;
	[bflag:$0x2] =	sbarrier.arrive $0xFFFF  }
0xa5: {  	p0 =	sne.s32 s0, $0x0;
	s0 =	rddreg [dreg:$0x3]  }
0xa6: {  	s0 =	sadd.s32 @!p0 $0x100000, s0  }
0xa7: {  	[sflag:s0] =	ssyncadd.tile.s32 @!p0 $0x1;
	_ =	shalt  }
.Lfunc_end2:
_tile_overlayer_lowered:
.L_overlay_start_2:
0xa8: {  	(tag) =	ssettag $0x2  }
0xa9: {  	s0 =	rddreg [dreg:$0x0];
	s2 =	stileid.u32  }
0xaa: {  	s1 =	rddreg [dreg:$0x1];
	p0 =	sne.s32 s2, $0x0  }
0xab: {  	s3 =	rddreg [dreg:$0x2];
	[bflag:$0x3] =	sbarrier.arrive $0xFFFF;
	s2 =	simm.s32 @!p0 $0x1C09  }
0xac: {  	[timem:s3], [sflag:s2] =	dma.local @!p0 [hbm:s0], s1  }
0xad: {  	s0 =	simm.s32 @!p0 $0x9  }
0xae: {  	_ =	swait.ge @!p0 [sflag:s0], s1  }
0xaf: {  	s1 =	ssub.s32 @!p0 $0x0, s1;
	[sflag:s0] =	ssyncset.done @!p0 $0x0  }
0xb0: {  	[sflag:s0] =	ssyncadd.s32 @!p0 s1  }
0xb1: {  	[bflag:$0x3] =	sbarrier.arrive $0xFFFF  }
0xb2: {  	_ =	shalt  }

</sc_bundles>
